<compile_context>
chip_gen: v7x
topology: tpu7x:2x2x1
jax: 0.10.2.dev20260603
libtpu: 0.0.44.dev20260713+nightly
codegen_flags: <defaults>
</compile_context>

<pallas_src>
import jax
import jax.numpy as jnp
from jax import lax
from jax.experimental import pallas as pl
from jax.experimental.pallas import tpu as pltpu
from jax.experimental.pallas import tpu_sc as plsc

_B, _L, _NNS = 1024, 200, 7
_E = 30


_NW = 32
_TOTAL_ROWS = 2 * _B * _L + _B + _B * _NNS
_IDXW = 96
_GRP = 17
_NGRP = 8
_ROWS_PER_W = _IDXW * _GRP * _NGRP
assert _ROWS_PER_W * _NW == _TOTAL_ROWS


def _sc_gather_kernel(table_hbm, idx_hbm, out_hbm, idx_v, buf_a, buf_b, sem_a, sem_b):
    wid = lax.axis_index("s") * 2 + lax.axis_index("c")
    base = wid * _ROWS_PER_W
    pltpu.sync_copy(idx_hbm.at[wid], idx_v)

    del buf_b, sem_b

    @pl.loop(0, _NGRP)
    def _group(g):
        handles = []
        for j in range(_GRP):
            handles.append(pltpu.async_copy(
                table_hbm.at[idx_v.at[g * _GRP + j]],
                buf_a.at[pl.ds(j * _IDXW, _IDXW)], sem_a))
        for h in handles:
            h.wait()
        pltpu.sync_copy(
            buf_a, out_hbm.at[pl.ds(base + g * (_GRP * _IDXW), _GRP * _IDXW)])


def _sc_gather(table, idx3):
    mesh = plsc.VectorSubcoreMesh(core_axis_name="c", subcore_axis_name="s")
    return pl.kernel(
        _sc_gather_kernel,
        mesh=mesh,
        compiler_params=pltpu.CompilerParams(use_tc_tiling_on_sc=False),
        out_type=jax.ShapeDtypeStruct((_TOTAL_ROWS, _E), jnp.float32),
        scratch_types=[
            pltpu.VMEM((_NGRP * _GRP, _IDXW), jnp.int32),
            pltpu.VMEM((_GRP * _IDXW, _E), jnp.float32),
            pltpu.VMEM((_GRP * _IDXW, _E), jnp.float32),
            pltpu.SemaphoreType.DMA,
            pltpu.SemaphoreType.DMA,
        ],
    )(table, idx3)



_BB = 256
_NBLK = _B // _BB


def _sig(x):
    return jax.nn.sigmoid(x)


def _dice(x, alpha):
    p = _sig(x)
    return p * x + (1.0 - p) * alpha * x


def _mm(a, b):
    return lax.dot_general(a, b, (((1,), (0,)), ((), ())),
                           preferred_element_type=jnp.float32)


def _tc_kernel(pos_ref, neg_ref, tgt_ref, ns_ref, sl_ref, w_refs,
               preds_ref, aux_ref, hs_ref, att_ref, acc_ref):
    i = pl.program_id(0)
    f32 = jnp.float32
    w = {k: r[...] for k, r in w_refs.items()}

    sl = sl_ref[...]
    tgt = tgt_ref[...]

    def gru_step(t, h):
        x = pos_ref[t]
        r = _sig(_mm(w['gru_Wx_r'], x) + w['gru_b_r'] + _mm(w['gru_Wh_r'], h))
        z = _sig(_mm(w['gru_Wx_z'], x) + w['gru_b_z'] + _mm(w['gru_Wh_z'], h))
        n = jnp.tanh(_mm(w['gru_Wx_n'], x) + w['gru_b_n']
                     + r * _mm(w['gru_Wh_n'], h))
        hnew = (1.0 - z) * n + z * h
        hnew = jnp.where(t < sl, hnew, h)
        hs_ref[t] = hnew
        return hnew

    h0 = jnp.zeros((_E, _BB), f32)
    lax.fori_loop(0, _L, gru_step, h0, unroll=False)

    eps = 1e-7

    def aux_step(t, acc):
        h = hs_ref[t]
        hW = _mm(w['aux_W1_h'], h)
        e_cat = jnp.concatenate([pos_ref[t + 1], neg_ref[t + 1]], axis=1)
        x = _sig(jnp.concatenate([hW, hW], axis=1)
                 + _mm(w['aux_W1_e'], e_cat) + w['aux_b1'])
        x = _sig(_mm(w['aux_W2'], x) + w['aux_b2'])
        x = _sig(_mm(w['aux_W3'], x) + w['aux_b3'])
        click = x[:, :_BB]
        noclick = x[:, _BB:]
        amf = (t < (sl - 1)).astype(f32)
        num = jnp.sum(-(jnp.log(click + eps) + jnp.log(1.0 - noclick + eps)) * amf)
        return (acc[0] + num, acc[1] + jnp.sum(amf))

    aux_num, aux_den = lax.fori_loop(
        0, _L - 1, aux_step, (jnp.zeros((), f32), jnp.zeros((), f32)),
        unroll=False)

    qW = _mm(w['att_W1_qd'], tgt) + w['att_b1']

    def att_step(t, _):
        h = hs_ref[t]
        ah = _sig(_mm(w['att_W1_id'], h) + _mm(w['att_W1_p'], h * tgt) + qW)
        sc = _mm(w['att_W2'], ah) + w['att_b2']
        att_ref[pl.ds(t, 1), :] = jnp.where(t < sl, sc, -1e9)
        return 0

    lax.fori_loop(0, _L, att_step, 0, unroll=False)

    scores = att_ref[...]
    sexp = jnp.exp(scores - jnp.max(scores, axis=0, keepdims=True))
    att_ref[...] = sexp / jnp.sum(sexp, axis=0, keepdims=True)

    def augru_step(t, h):
        x = hs_ref[t]
        a = att_ref[pl.ds(t, 1), :]
        r = _sig(_mm(w['augru_Wx_r'], x) + w['augru_b_r']
                 + _mm(w['augru_Wh_r'], h))
        u = _sig(_mm(w['augru_Wx_z'], x) + w['augru_b_z']
                 + _mm(w['augru_Wh_z'], h)) * a
        n = jnp.tanh(_mm(w['augru_Wx_n'], x) + w['augru_b_n']
                     + r * _mm(w['augru_Wh_n'], h))
        hnew = (1.0 - u) * h + u * n
        return jnp.where(t < sl, hnew, h)

    evo = lax.fori_loop(0, _L, augru_step, h0, unroll=False)

    x = (_mm(w['dnn_W1_t'], tgt) + _mm(w['dnn_W1_n'], ns_ref[...])
         + _mm(w['dnn_W1_e'], evo) + w['dnn_b1'])
    x = _dice(x, w['dnn_a1'])
    x = _dice(_mm(w['dnn_W2'], x) + w['dnn_b2'], w['dnn_a2'])
    x = _dice(_mm(w['dnn_W3'], x) + w['dnn_b3'], w['dnn_a3'])
    preds_ref[...] = _sig(x)

    @pl.when(i == 0)
    def _():
        acc_ref[0] = aux_num
        acc_ref[1] = aux_den

    @pl.when(i > 0)
    def _():
        acc_ref[0] += aux_num
        acc_ref[1] += aux_den

    @pl.when(i == _NBLK - 1)
    def _():
        aux_ref[...] = (acc_ref[0] / jnp.maximum(acc_ref[1], 1.0)).reshape(1, 1)


def _tc_network(pos_tm, neg_tm, tgt_e, ns_e, seq_len, params):
    f32 = jnp.float32
    E = _E

    weights = {}
    for pre in ('gru', 'augru'):
        wx = params[pre + '_Wx']
        wh = params[pre + '_Wh']
        b = params[pre + '_b']
        for k, name in enumerate(('r', 'z', 'n')):
            weights[pre + '_Wx_' + name] = wx[:, k * E:(k + 1) * E].T
            weights[pre + '_Wh_' + name] = wh[:, k * E:(k + 1) * E].T
            weights[pre + '_b_' + name] = b[k * E:(k + 1) * E].reshape(E, 1)
    aw1 = params['aux_W1']
    weights['aux_W1_h'] = aw1[:E].T
    weights['aux_W1_e'] = aw1[E:].T
    weights['aux_W2'] = params['aux_W2'].T
    weights['aux_W3'] = params['aux_W3'].T
    tw1 = params['att_W1']
    weights['att_W1_qd'] = (tw1[:E] + tw1[2 * E:3 * E]).T
    weights['att_W1_id'] = (tw1[E:2 * E] - tw1[2 * E:3 * E]).T
    weights['att_W1_p'] = tw1[3 * E:].T
    weights['att_W2'] = params['att_W2'].T
    dw1 = params['dnn_W1']
    weights['dnn_W1_t'] = dw1[:E].T
    weights['dnn_W1_n'] = dw1[E:E + _NNS * E].T
    weights['dnn_W1_e'] = dw1[E + _NNS * E:].T
    weights['dnn_W2'] = params['dnn_W2'].T
    weights['dnn_W3'] = params['dnn_W3'].T
    for nm in ('aux_b1', 'aux_b2', 'aux_b3', 'att_b1', 'att_b2',
               'dnn_b1', 'dnn_a1', 'dnn_b2', 'dnn_a2', 'dnn_b3', 'dnn_a3'):
        weights[nm] = params[nm].reshape(-1, 1)

    def wspec(shape):
        return pl.BlockSpec(shape, lambda i: (0, 0))

    w_specs = {k: wspec(v.shape) for k, v in weights.items()}
    sl2 = seq_len.reshape(1, _B).astype(jnp.int32)

    preds, aux = pl.pallas_call(
        _tc_kernel,
        grid=(_NBLK,),
        in_specs=[
            pl.BlockSpec((_L, E, _BB), lambda i: (0, 0, i)),
            pl.BlockSpec((_L, E, _BB), lambda i: (0, 0, i)),
            pl.BlockSpec((E, _BB), lambda i: (0, i)),
            pl.BlockSpec((_NNS * E, _BB), lambda i: (0, i)),
            pl.BlockSpec((1, _BB), lambda i: (0, i)),
            w_specs,
        ],
        out_specs=[
            pl.BlockSpec((1, _BB), lambda i: (0, i)),
            pl.BlockSpec((1, 1), lambda i: (0, 0)),
        ],
        out_shape=[
            jax.ShapeDtypeStruct((1, _B), f32),
            jax.ShapeDtypeStruct((1, 1), f32),
        ],
        scratch_shapes=[
            pltpu.VMEM((_L, _E, _BB), f32),
            pltpu.VMEM((_L, _BB), f32),
            pltpu.SMEM((2,), f32),
        ],
        compiler_params=pltpu.CompilerParams(
            vmem_limit_bytes=63 * 1024 * 1024),
    )(pos_tm, neg_tm, tgt_e, ns_e, sl2, weights)
    return preds.reshape(_B, 1), aux[0, 0]


def kernel(pos_item_seq, neg_item_seq, target_item, non_seq_ids, seq_len, params):
    flat_idx = jnp.concatenate([
        pos_item_seq.T.reshape(-1),
        neg_item_seq.T.reshape(-1),
        target_item,
        non_seq_ids.reshape(-1),
    ]).astype(jnp.int32)
    idx3 = flat_idx.reshape(_NW, _NGRP * _GRP, _IDXW)

    rows = _sc_gather(params['emb_table'], idx3)

    n_seq = _B * _L
    pos_tm = rows[:n_seq].reshape(_L, _B, _E).transpose(0, 2, 1)
    neg_tm = rows[n_seq:2 * n_seq].reshape(_L, _B, _E).transpose(0, 2, 1)
    tgt_e = rows[2 * n_seq:2 * n_seq + _B].T
    ns_e = rows[2 * n_seq + _B:].reshape(_B, _NNS * _E).T

    preds, aux_loss = _tc_network(pos_tm, neg_tm, tgt_e, ns_e, seq_len, params)
    return (preds, aux_loss)

# --- scband reference (transcript-rebuilt; emitter-appended) ---
"""Pipeline reference for scband-dien-31791347925488 (READ-ONLY COPY).

The authoritative reference and input builder live on the scoring server;
editing this copy changes nothing except your own understanding.
"""

import jax, jax.numpy as jnp
import numpy as np

B, L, NNS = 1024, 200, 7
VOCAB, EMB = 1000000, 30

def setup_inputs(seed: int = 0):
    key = jax.random.key(seed)
    ki = jax.random.split(key, 8)
    pos_item_seq = jax.random.randint(ki[0], (B, L), 0, VOCAB)
    neg_item_seq = jax.random.randint(ki[1], (B, L), 0, VOCAB)
    target_item = jax.random.randint(ki[2], (B,), 0, VOCAB)
    non_seq_ids = jax.random.randint(ki[3], (B, NNS), 0, VOCAB)
    seq_len = jax.random.randint(ki[4], (B,), 1, L + 1)
    kp = jax.random.split(ki[5], 16)
    def nrm(k, shape, s=0.05):
        return (jax.random.normal(k, shape) * s).astype(jnp.float32)
    params = {
        'emb_table': nrm(kp[0], (VOCAB, EMB), 0.01),
        'gru_Wx': nrm(kp[1], (EMB, 3 * EMB)),
        'gru_Wh': nrm(kp[2], (EMB, 3 * EMB)),
        'gru_b': jnp.zeros((3 * EMB,), jnp.float32),
        'aux_W1': nrm(kp[3], (2 * EMB, 32)), 'aux_b1': jnp.zeros((32,), jnp.float32),
        'aux_W2': nrm(kp[4], (32, 16)), 'aux_b2': jnp.zeros((16,), jnp.float32),
        'aux_W3': nrm(kp[5], (16, 1)), 'aux_b3': jnp.zeros((1,), jnp.float32),
        'att_W1': nrm(kp[6], (4 * EMB, 40)), 'att_b1': jnp.zeros((40,), jnp.float32),
        'att_W2': nrm(kp[7], (40, 1)), 'att_b2': jnp.zeros((1,), jnp.float32),
        'augru_Wx': nrm(kp[8], (EMB, 3 * EMB)),
        'augru_Wh': nrm(kp[9], (EMB, 3 * EMB)),
        'augru_b': jnp.zeros((3 * EMB,), jnp.float32),
        'dnn_W1': nrm(kp[10], ((2 + NNS) * EMB, 64)), 'dnn_b1': jnp.zeros((64,), jnp.float32), 'dnn_a1': jnp.zeros((64,), jnp.float32),
        'dnn_W2': nrm(kp[11], (64, 16)), 'dnn_b2': jnp.zeros((16,), jnp.float32), 'dnn_a2': jnp.zeros((16,), jnp.float32),
        'dnn_W3': nrm(kp[12], (16, 1)), 'dnn_b3': jnp.zeros((1,), jnp.float32), 'dnn_a3': jnp.zeros((1,), jnp.float32),
    }
    return {'pos_item_seq': pos_item_seq, 'neg_item_seq': neg_item_seq, 'target_item': target_item, 'non_seq_ids': non_seq_ids, 'seq_len': seq_len, 'params': params}

def _dice(x, alpha):
    p = jax.nn.sigmoid(x)
    return p * x + (1.0 - p) * alpha * x

def _gru_scan(xs, mask, Wx, Wh, b):
    h0 = jnp.zeros((xs.shape[1], xs.shape[2]), jnp.float32)
    def step(h, inp):
        x, m = inp
        gx = x @ Wx + b
        gh = h @ Wh
        xr, xz, xn = jnp.split(gx, 3, axis=-1)
        hr, hz, hn = jnp.split(gh, 3, axis=-1)
        r = jax.nn.sigmoid(xr + hr)
        z = jax.nn.sigmoid(xz + hz)
        n = jnp.tanh(xn + r * hn)
        hnew = (1.0 - z) * n + z * h
        hnew = jnp.where(m, hnew, h)
        return hnew, hnew
    _, hs = jax.lax.scan(step, h0, (xs, mask))
    return hs

def _augru_scan(xs, att, mask, Wx, Wh, b):
    h0 = jnp.zeros((xs.shape[1], xs.shape[2]), jnp.float32)
    def step(h, inp):
        x, a, m = inp
        gx = x @ Wx + b
        gh = h @ Wh
        xr, xz, xn = jnp.split(gx, 3, axis=-1)
        hr, hz, hn = jnp.split(gh, 3, axis=-1)
        r = jax.nn.sigmoid(xr + hr)
        u = jax.nn.sigmoid(xz + hz)
        n = jnp.tanh(xn + r * hn)
        u = a * u
        hnew = (1.0 - u) * h + u * n
        hnew = jnp.where(m, hnew, h)
        return hnew, None
    hT, _ = jax.lax.scan(step, h0, (xs, att, mask))
    return hT

def _forward(params, pos_item_seq, neg_item_seq, target_item, non_seq_ids, seq_len):
    emb = params['emb_table']
    Bn, Ln = pos_item_seq.shape
    pos_e = jnp.take(emb, pos_item_seq, axis=0)
    neg_e = jnp.take(emb, neg_item_seq, axis=0)
    tgt_e = jnp.take(emb, target_item, axis=0)
    ns_e = jnp.take(emb, non_seq_ids, axis=0).reshape(Bn, -1)
    mask_bl = jnp.arange(Ln)[None, :] < seq_len[:, None]
    xs = jnp.transpose(pos_e, (1, 0, 2))
    m_lb = jnp.transpose(mask_bl, (1, 0))[:, :, None]
    hs = _gru_scan(xs, m_lb, params['gru_Wx'], params['gru_Wh'], params['gru_b'])
    interests = jnp.transpose(hs, (1, 0, 2))
    def aux_net(a, b_):
        x = jnp.concatenate([a, b_], axis=-1)
        x = jax.nn.sigmoid(x @ params['aux_W1'] + params['aux_b1'])
        x = jax.nn.sigmoid(x @ params['aux_W2'] + params['aux_b2'])
        x = x @ params['aux_W3'] + params['aux_b3']
        return jax.nn.sigmoid(x)[..., 0]
    eps = 1e-7
    click_p = aux_net(interests[:, :-1, :], pos_e[:, 1:, :])
    noclick_p = aux_net(interests[:, :-1, :], neg_e[:, 1:, :])
    aux_mask = (jnp.arange(Ln - 1)[None, :] < (seq_len[:, None] - 1)).astype(jnp.float32)
    aux_loss = jnp.sum(-(jnp.log(click_p + eps) + jnp.log(1.0 - noclick_p + eps)) * aux_mask) / jnp.maximum(jnp.sum(aux_mask), 1.0)
    q = jnp.broadcast_to(tgt_e[:, None, :], interests.shape)
    att_in = jnp.concatenate([q, interests, q - interests, q * interests], axis=-1)
    ah = jax.nn.sigmoid(att_in @ params['att_W1'] + params['att_b1'])
    scores = (ah @ params['att_W2'] + params['att_b2'])[..., 0]
    scores = jnp.where(mask_bl, scores, -1e9)
    att = jax.nn.softmax(scores, axis=-1)
    att_lb = jnp.transpose(att, (1, 0))[:, :, None]
    evo = _augru_scan(hs, att_lb, m_lb, params['augru_Wx'], params['augru_Wh'], params['augru_b'])
    din = jnp.concatenate([tgt_e, ns_e, evo], axis=-1)
    x = _dice(din @ params['dnn_W1'] + params['dnn_b1'], params['dnn_a1'])
    x = _dice(x @ params['dnn_W2'] + params['dnn_b2'], params['dnn_a2'])
    x = _dice(x @ params['dnn_W3'] + params['dnn_b3'], params['dnn_a3'])
    preds = jax.nn.sigmoid(x)
    return (preds, aux_loss)

def reference(pos_item_seq, neg_item_seq, target_item, non_seq_ids, seq_len, params):
    return _forward(params, pos_item_seq, neg_item_seq, target_item, non_seq_ids, seq_len)

if __name__ == "__main__":
    import jax
    _d = setup_inputs()
    print(jax.jit(kernel)(*tuple(_d.values())))

</pallas_src>

<mosaic_0001>
#map = affine_map<(d0, d1) -> (0, 0)>
#map1 = affine_map<(d0, d1) -> (0, 0, 0)>
module attributes {stable_mosaic.version = 14 : i64} {
  func.func @_sc_gather_kernel(%arg0: i32, %arg1: i32, %arg2: memref<1000000x30xf32, #tpu.memory_space<hbm>>, %arg3: memref<32x136x96xi32, #tpu.memory_space<hbm>>, %arg4: memref<417792x30xf32, #tpu.memory_space<hbm>>, %arg5: memref<136x96xi32, #tpu.memory_space<vmem>>, %arg6: memref<1632x30xf32, #tpu.memory_space<vmem>>, %arg7: memref<1632x30xf32, #tpu.memory_space<vmem>>, %arg8: memref<!tpu.dma_semaphore, #tpu.memory_space<semaphore_mem>>, %arg9: memref<!tpu.dma_semaphore, #tpu.memory_space<semaphore_mem>>) attributes {dimension_semantics = [#tpu.dimension_semantics<core_parallel>, #tpu.dimension_semantics<subcore_parallel>], iteration_bounds = array<i64: 2, 16>, scalar_prefetch = 0 : i64, scratch_operands = 5 : i64, tpu.core_type = #tpu.core_type<sc_vector_subcore>, window_params = [{transform_indices = #map}, {transform_indices = #map1}, {transform_indices = #map}]} {
    %mul3A = arith.constant 2 : i32
    %mul3A_0 = arith.muli %arg1, %mul3A : i32
    %add3A = arith.addi %mul3A_0, %arg0 : i32
    %mul3A_1 = arith.constant 13056 : i32
    %mul3A_2 = arith.muli %add3A, %mul3A_1 : i32
    "tpu.region"() ({
      %run_scoped3A = tpu.sem_alloc : memref<!tpu.dma_semaphore, #tpu.memory_space<semaphore_mem>>
      %dma_start3A = arith.constant 0 : i32
      %dma_start3A_7 = arith.constant 0 : i32
      %dma_start3A_8 = tpu.memref_slice %arg3[%add3A, %dma_start3A, %dma_start3A_7] : memref<32x136x96xi32, #tpu.memory_space<hbm>> -> memref<1x136x96xi32, #tpu.memory_space<hbm>>
      %dma_start3A_9 = tpu.memref_squeeze %dma_start3A_8 : memref<1x136x96xi32, #tpu.memory_space<hbm>> -> memref<136x96xi32, #tpu.memory_space<hbm>>
      %dma_start3A_10 = arith.constant 0 : i32
      %dma_start3A_11 = arith.constant 0 : i32
      %dma_start3A_12 = tpu.memref_slice %arg3[%add3A, %dma_start3A_10, %dma_start3A_11] : memref<32x136x96xi32, #tpu.memory_space<hbm>> -> memref<1x136x96xi32, #tpu.memory_space<hbm>>
      %dma_start3A_13 = tpu.memref_squeeze %dma_start3A_12 : memref<1x136x96xi32, #tpu.memory_space<hbm>> -> memref<136x96xi32, #tpu.memory_space<hbm>>
      tpu.enqueue_dma source(%dma_start3A_13 : memref<136x96xi32, #tpu.memory_space<hbm>>) target(%arg5 : memref<136x96xi32, #tpu.memory_space<vmem>>) target_semaphore(%run_scoped3A : memref<!tpu.dma_semaphore, #tpu.memory_space<semaphore_mem>>)
      %dma_wait3A = arith.constant 0 : i32
      %dma_wait3A_14 = arith.constant 0 : i32
      %dma_wait3A_15 = tpu.memref_slice %arg3[%add3A, %dma_wait3A, %dma_wait3A_14] : memref<32x136x96xi32, #tpu.memory_space<hbm>> -> memref<1x136x96xi32, #tpu.memory_space<hbm>>
      %dma_wait3A_16 = tpu.memref_squeeze %dma_wait3A_15 : memref<1x136x96xi32, #tpu.memory_space<hbm>> -> memref<136x96xi32, #tpu.memory_space<hbm>>
      %dma_wait3A_17 = arith.constant 0 : i32
      %dma_wait3A_18 = arith.constant 0 : i32
      %dma_wait3A_19 = tpu.memref_slice %arg3[%add3A, %dma_wait3A_17, %dma_wait3A_18] : memref<32x136x96xi32, #tpu.memory_space<hbm>> -> memref<1x136x96xi32, #tpu.memory_space<hbm>>
      %dma_wait3A_20 = tpu.memref_squeeze %dma_wait3A_19 : memref<1x136x96xi32, #tpu.memory_space<hbm>> -> memref<136x96xi32, #tpu.memory_space<hbm>>
      tpu.wait_dma2 semaphore(%run_scoped3A : memref<!tpu.dma_semaphore, #tpu.memory_space<semaphore_mem>>) src(%dma_wait3A_20 : memref<136x96xi32, #tpu.memory_space<hbm>>) dst(%arg5 : memref<136x96xi32, #tpu.memory_space<vmem>>)
      tpu.yield
    }) : () -> ()
    %scan3A = arith.constant 0 : i32
    %scan3A_3 = arith.constant 8 : i32
    %scan3A_4 = arith.addi %scan3A, %scan3A_3 : i32
    %scan3A_5 = arith.constant 1 : i32
    scf.for %scan3A_7 = %scan3A to %scan3A_4 step %scan3A_5  : i32 {
      %mul3A_8 = arith.constant 1 : i32
      %mul3A_9 = arith.muli %scan3A_7, %mul3A_8 : i32
      %add3A_10 = arith.constant 0 : i32
      %add3A_11 = arith.addi %add3A_10, %mul3A_9 : i32
      %mul3A_12 = arith.constant 17 : i32
      %mul3A_13 = arith.muli %add3A_11, %mul3A_12 : i32
      %add3A_14 = arith.constant 0 : i32
      %add3A_15 = arith.addi %mul3A_13, %add3A_14 : i32
      %dma_start3A = arith.constant 0 : i32
      %dma_start3A_16 = arith.constant 0 : i32
      %dma_start3A_17 = tpu.memref_slice %arg6[%dma_start3A, %dma_start3A_16] : memref<1632x30xf32, #tpu.memory_space<vmem>> -> memref<96x30xf32, #tpu.memory_space<vmem>>
      %dma_start3A_18 = arith.constant 0 : i32
      %dma_start3A_19 = tpu.memref_slice %arg5[%add3A_15, %dma_start3A_18] : memref<136x96xi32, #tpu.memory_space<vmem>> -> memref<1x96xi32, #tpu.memory_space<vmem>>
      %dma_start3A_20 = tpu.memref_squeeze %dma_start3A_19 : memref<1x96xi32, #tpu.memory_space<vmem>> -> memref<96xi32, #tpu.memory_space<vmem>>
      %dma_start3A_21 = arith.constant 0 : i32
      %dma_start3A_22 = arith.constant 0 : i32
      %dma_start3A_23 = tpu.memref_slice %arg2[%dma_start3A_21, %dma_start3A_22] : memref<1000000x30xf32, #tpu.memory_space<hbm>> -> memref<1000000x30xf32, #tpu.memory_space<hbm>>
      tpu.enqueue_indirect_dma source(%dma_start3A_23 : memref<1000000x30xf32, #tpu.memory_space<hbm>>) target(%dma_start3A_17 : memref<96x30xf32, #tpu.memory_space<vmem>>) offsets(%dma_start3A_20 : memref<96xi32, #tpu.memory_space<vmem>>) semaphore(%arg8 : memref<!tpu.dma_semaphore, #tpu.memory_space<semaphore_mem>>)
      %mul3A_24 = arith.constant 17 : i32
      %mul3A_25 = arith.muli %add3A_11, %mul3A_24 : i32
      %add3A_26 = arith.constant 1 : i32
      %add3A_27 = arith.addi %mul3A_25, %add3A_26 : i32
      %dma_start3A_28 = arith.constant 96 : i32
      %dma_start3A_29 = arith.constant 0 : i32
      %dma_start3A_30 = tpu.memref_slice %arg6[%dma_start3A_28, %dma_start3A_29] : memref<1632x30xf32, #tpu.memory_space<vmem>> -> memref<96x30xf32, #tpu.memory_space<vmem>>
      %dma_start3A_31 = arith.constant 0 : i32
      %dma_start3A_32 = tpu.memref_slice %arg5[%add3A_27, %dma_start3A_31] : memref<136x96xi32, #tpu.memory_space<vmem>> -> memref<1x96xi32, #tpu.memory_space<vmem>>
      %dma_start3A_33 = tpu.memref_squeeze %dma_start3A_32 : memref<1x96xi32, #tpu.memory_space<vmem>> -> memref<96xi32, #tpu.memory_space<vmem>>
      %dma_start3A_34 = arith.constant 0 : i32
      %dma_start3A_35 = arith.constant 0 : i32
      %dma_start3A_36 = tpu.memref_slice %arg2[%dma_start3A_34, %dma_start3A_35] : memref<1000000x30xf32, #tpu.memory_space<hbm>> -> memref<1000000x30xf32, #tpu.memory_space<hbm>>
      tpu.enqueue_indirect_dma source(%dma_start3A_36 : memref<1000000x30xf32, #tpu.memory_space<hbm>>) target(%dma_start3A_30 : memref<96x30xf32, #tpu.memory_space<vmem>>) offsets(%dma_start3A_33 : memref<96xi32, #tpu.memory_space<vmem>>) semaphore(%arg8 : memref<!tpu.dma_semaphore, #tpu.memory_space<semaphore_mem>>)
      %mul3A_37 = arith.constant 17 : i32
      %mul3A_38 = arith.muli %add3A_11, %mul3A_37 : i32
      %add3A_39 = arith.constant 2 : i32
      %add3A_40 = arith.addi %mul3A_38, %add3A_39 : i32
      %dma_start3A_41 = arith.constant 192 : i32
      %dma_start3A_42 = arith.constant 0 : i32
      %dma_start3A_43 = tpu.memref_slice %arg6[%dma_start3A_41, %dma_start3A_42] : memref<1632x30xf32, #tpu.memory_space<vmem>> -> memref<96x30xf32, #tpu.memory_space<vmem>>
      %dma_start3A_44 = arith.constant 0 : i32
      %dma_start3A_45 = tpu.memref_slice %arg5[%add3A_40, %dma_start3A_44] : memref<136x96xi32, #tpu.memory_space<vmem>> -> memref<1x96xi32, #tpu.memory_space<vmem>>
      %dma_start3A_46 = tpu.memref_squeeze %dma_start3A_45 : memref<1x96xi32, #tpu.memory_space<vmem>> -> memref<96xi32, #tpu.memory_space<vmem>>
      %dma_start3A_47 = arith.constant 0 : i32
      %dma_start3A_48 = arith.constant 0 : i32
      %dma_start3A_49 = tpu.memref_slice %arg2[%dma_start3A_47, %dma_start3A_48] : memref<1000000x30xf32, #tpu.memory_space<hbm>> -> memref<1000000x30xf32, #tpu.memory_space<hbm>>
      tpu.enqueue_indirect_dma source(%dma_start3A_49 : memref<1000000x30xf32, #tpu.memory_space<hbm>>) target(%dma_start3A_43 : memref<96x30xf32, #tpu.memory_space<vmem>>) offsets(%dma_start3A_46 : memref<96xi32, #tpu.memory_space<vmem>>) semaphore(%arg8 : memref<!tpu.dma_semaphore, #tpu.memory_space<semaphore_mem>>)
      %mul3A_50 = arith.constant 17 : i32
      %mul3A_51 = arith.muli %add3A_11, %mul3A_50 : i32
      %add3A_52 = arith.constant 3 : i32
      %add3A_53 = arith.addi %mul3A_51, %add3A_52 : i32
      %dma_start3A_54 = arith.constant 288 : i32
      %dma_start3A_55 = arith.constant 0 : i32
      %dma_start3A_56 = tpu.memref_slice %arg6[%dma_start3A_54, %dma_start3A_55] : memref<1632x30xf32, #tpu.memory_space<vmem>> -> memref<96x30xf32, #tpu.memory_space<vmem>>
      %dma_start3A_57 = arith.constant 0 : i32
      %dma_start3A_58 = tpu.memref_slice %arg5[%add3A_53, %dma_start3A_57] : memref<136x96xi32, #tpu.memory_space<vmem>> -> memref<1x96xi32, #tpu.memory_space<vmem>>
      %dma_start3A_59 = tpu.memref_squeeze %dma_start3A_58 : memref<1x96xi32, #tpu.memory_space<vmem>> -> memref<96xi32, #tpu.memory_space<vmem>>
      %dma_start3A_60 = arith.constant 0 : i32
      %dma_start3A_61 = arith.constant 0 : i32
      %dma_start3A_62 = tpu.memref_slice %arg2[%dma_start3A_60, %dma_start3A_61] : memref<1000000x30xf32, #tpu.memory_space<hbm>> -> memref<1000000x30xf32, #tpu.memory_space<hbm>>
      tpu.enqueue_indirect_dma source(%dma_start3A_62 : memref<1000000x30xf32, #tpu.memory_space<hbm>>) target(%dma_start3A_56 : memref<96x30xf32, #tpu.memory_space<vmem>>) offsets(%dma_start3A_59 : memref<96xi32, #tpu.memory_space<vmem>>) semaphore(%arg8 : memref<!tpu.dma_semaphore, #tpu.memory_space<semaphore_mem>>)
      %mul3A_63 = arith.constant 17 : i32
      %mul3A_64 = arith.muli %add3A_11, %mul3A_63 : i32
      %add3A_65 = arith.constant 4 : i32
      %add3A_66 = arith.addi %mul3A_64, %add3A_65 : i32
      %dma_start3A_67 = arith.constant 384 : i32
      %dma_start3A_68 = arith.constant 0 : i32
      %dma_start3A_69 = tpu.memref_slice %arg6[%dma_start3A_67, %dma_start3A_68] : memref<1632x30xf32, #tpu.memory_space<vmem>> -> memref<96x30xf32, #tpu.memory_space<vmem>>
      %dma_start3A_70 = arith.constant 0 : i32
      %dma_start3A_71 = tpu.memref_slice %arg5[%add3A_66, %dma_start3A_70] : memref<136x96xi32, #tpu.memory_space<vmem>> -> memref<1x96xi32, #tpu.memory_space<vmem>>
      %dma_start3A_72 = tpu.memref_squeeze %dma_start3A_71 : memref<1x96xi32, #tpu.memory_space<vmem>> -> memref<96xi32, #tpu.memory_space<vmem>>
      %dma_start3A_73 = arith.constant 0 : i32
      %dma_start3A_74 = arith.constant 0 : i32
      %dma_start3A_75 = tpu.memref_slice %arg2[%dma_start3A_73, %dma_start3A_74] : memref<1000000x30xf32, #tpu.memory_space<hbm>> -> memref<1000000x30xf32, #tpu.memory_space<hbm>>
      tpu.enqueue_indirect_dma source(%dma_start3A_75 : memref<1000000x30xf32, #tpu.memory_space<hbm>>) target(%dma_start3A_69 : memref<96x30xf32, #tpu.memory_space<vmem>>) offsets(%dma_start3A_72 : memref<96xi32, #tpu.memory_space<vmem>>) semaphore(%arg8 : memref<!tpu.dma_semaphore, #tpu.memory_space<semaphore_mem>>)
      %mul3A_76 = arith.constant 17 : i32
      %mul3A_77 = arith.muli %add3A_11, %mul3A_76 : i32
      %add3A_78 = arith.constant 5 : i32
      %add3A_79 = arith.addi %mul3A_77, %add3A_78 : i32
      %dma_start3A_80 = arith.constant 480 : i32
      %dma_start3A_81 = arith.constant 0 : i32
      %dma_start3A_82 = tpu.memref_slice %arg6[%dma_start3A_80, %dma_start3A_81] : memref<1632x30xf32, #tpu.memory_space<vmem>> -> memref<96x30xf32, #tpu.memory_space<vmem>>
      %dma_start3A_83 = arith.constant 0 : i32
      %dma_start3A_84 = tpu.memref_slice %arg5[%add3A_79, %dma_start3A_83] : memref<136x96xi32, #tpu.memory_space<vmem>> -> memref<1x96xi32, #tpu.memory_space<vmem>>
      %dma_start3A_85 = tpu.memref_squeeze %dma_start3A_84 : memref<1x96xi32, #tpu.memory_space<vmem>> -> memref<96xi32, #tpu.memory_space<vmem>>
      %dma_start3A_86 = arith.constant 0 : i32
      %dma_start3A_87 = arith.constant 0 : i32
      %dma_start3A_88 = tpu.memref_slice %arg2[%dma_start3A_86, %dma_start3A_87] : memref<1000000x30xf32, #tpu.memory_space<hbm>> -> memref<1000000x30xf32, #tpu.memory_space<hbm>>
      tpu.enqueue_indirect_dma source(%dma_start3A_88 : memref<1000000x30xf32, #tpu.memory_space<hbm>>) target(%dma_start3A_82 : memref<96x30xf32, #tpu.memory_space<vmem>>) offsets(%dma_start3A_85 : memref<96xi32, #tpu.memory_space<vmem>>) semaphore(%arg8 : memref<!tpu.dma_semaphore, #tpu.memory_space<semaphore_mem>>)
      %mul3A_89 = arith.constant 17 : i32
      %mul3A_90 = arith.muli %add3A_11, %mul3A_89 : i32
      %add3A_91 = arith.constant 6 : i32
      %add3A_92 = arith.addi %mul3A_90, %add3A_91 : i32
      %dma_start3A_93 = arith.constant 576 : i32
      %dma_start3A_94 = arith.constant 0 : i32
      %dma_start3A_95 = tpu.memref_slice %arg6[%dma_start3A_93, %dma_start3A_94] : memref<1632x30xf32, #tpu.memory_space<vmem>> -> memref<96x30xf32, #tpu.memory_space<vmem>>
      %dma_start3A_96 = arith.constant 0 : i32
      %dma_start3A_97 = tpu.memref_slice %arg5[%add3A_92, %dma_start3A_96] : memref<136x96xi32, #tpu.memory_space<vmem>> -> memref<1x96xi32, #tpu.memory_space<vmem>>
      %dma_start3A_98 = tpu.memref_squeeze %dma_start3A_97 : memref<1x96xi32, #tpu.memory_space<vmem>> -> memref<96xi32, #tpu.memory_space<vmem>>
      %dma_start3A_99 = arith.constant 0 : i32
      %dma_start3A_100 = arith.constant 0 : i32
      %dma_start3A_101 = tpu.memref_slice %arg2[%dma_start3A_99, %dma_start3A_100] : memref<1000000x30xf32, #tpu.memory_space<hbm>> -> memref<1000000x30xf32, #tpu.memory_space<hbm>>
      tpu.enqueue_indirect_dma source(%dma_start3A_101 : memref<1000000x30xf32, #tpu.memory_space<hbm>>) target(%dma_start3A_95 : memref<96x30xf32, #tpu.memory_space<vmem>>) offsets(%dma_start3A_98 : memref<96xi32, #tpu.memory_space<vmem>>) semaphore(%arg8 : memref<!tpu.dma_semaphore, #tpu.memory_space<semaphore_mem>>)
      %mul3A_102 = arith.constant 17 : i32
      %mul3A_103 = arith.muli %add3A_11, %mul3A_102 : i32
      %add3A_104 = arith.constant 7 : i32
      %add3A_105 = arith.addi %mul3A_103, %add3A_104 : i32
      %dma_start3A_106 = arith.constant 672 : i32
      %dma_start3A_107 = arith.constant 0 : i32
      %dma_start3A_108 = tpu.memref_slice %arg6[%dma_start3A_106, %dma_start3A_107] : memref<1632x30xf32, #tpu.memory_space<vmem>> -> memref<96x30xf32, #tpu.memory_space<vmem>>
      %dma_start3A_109 = arith.constant 0 : i32
      %dma_start3A_110 = tpu.memref_slice %arg5[%add3A_105, %dma_start3A_109] : memref<136x96xi32, #tpu.memory_space<vmem>> -> memref<1x96xi32, #tpu.memory_space<vmem>>
      %dma_start3A_111 = tpu.memref_squeeze %dma_start3A_110 : memref<1x96xi32, #tpu.memory_space<vmem>> -> memref<96xi32, #tpu.memory_space<vmem>>
      %dma_start3A_112 = arith.constant 0 : i32
      %dma_start3A_113 = arith.constant 0 : i32
      %dma_start3A_114 = tpu.memref_slice %arg2[%dma_start3A_112, %dma_start3A_113] : memref<1000000x30xf32, #tpu.memory_space<hbm>> -> memref<1000000x30xf32, #tpu.memory_space<hbm>>
      tpu.enqueue_indirect_dma source(%dma_start3A_114 : memref<1000000x30xf32, #tpu.memory_space<hbm>>) target(%dma_start3A_108 : memref<96x30xf32, #tpu.memory_space<vmem>>) offsets(%dma_start3A_111 : memref<96xi32, #tpu.memory_space<vmem>>) semaphore(%arg8 : memref<!tpu.dma_semaphore, #tpu.memory_space<semaphore_mem>>)
      %mul3A_115 = arith.constant 17 : i32
      %mul3A_116 = arith.muli %add3A_11, %mul3A_115 : i32
      %add3A_117 = arith.constant 8 : i32
      %add3A_118 = arith.addi %mul3A_116, %add3A_117 : i32
      %dma_start3A_119 = arith.constant 768 : i32
      %dma_start3A_120 = arith.constant 0 : i32
      %dma_start3A_121 = tpu.memref_slice %arg6[%dma_start3A_119, %dma_start3A_120] : memref<1632x30xf32, #tpu.memory_space<vmem>> -> memref<96x30xf32, #tpu.memory_space<vmem>>
      %dma_start3A_122 = arith.constant 0 : i32
      %dma_start3A_123 = tpu.memref_slice %arg5[%add3A_118, %dma_start3A_122] : memref<136x96xi32, #tpu.memory_space<vmem>> -> memref<1x96xi32, #tpu.memory_space<vmem>>
      %dma_start3A_124 = tpu.memref_squeeze %dma_start3A_123 : memref<1x96xi32, #tpu.memory_space<vmem>> -> memref<96xi32, #tpu.memory_space<vmem>>
      %dma_start3A_125 = arith.constant 0 : i32
      %dma_start3A_126 = arith.constant 0 : i32
      %dma_start3A_127 = tpu.memref_slice %arg2[%dma_start3A_125, %dma_start3A_126] : memref<1000000x30xf32, #tpu.memory_space<hbm>> -> memref<1000000x30xf32, #tpu.memory_space<hbm>>
      tpu.enqueue_indirect_dma source(%dma_start3A_127 : memref<1000000x30xf32, #tpu.memory_space<hbm>>) target(%dma_start3A_121 : memref<96x30xf32, #tpu.memory_space<vmem>>) offsets(%dma_start3A_124 : memref<96xi32, #tpu.memory_space<vmem>>) semaphore(%arg8 : memref<!tpu.dma_semaphore, #tpu.memory_space<semaphore_mem>>)
      %mul3A_128 = arith.constant 17 : i32
      %mul3A_129 = arith.muli %add3A_11, %mul3A_128 : i32
      %add3A_130 = arith.constant 9 : i32
      %add3A_131 = arith.addi %mul3A_129, %add3A_130 : i32
      %dma_start3A_132 = arith.constant 864 : i32
      %dma_start3A_133 = arith.constant 0 : i32
      %dma_start3A_134 = tpu.memref_slice %arg6[%dma_start3A_132, %dma_start3A_133] : memref<1632x30xf32, #tpu.memory_space<vmem>> -> memref<96x30xf32, #tpu.memory_space<vmem>>
      %dma_start3A_135 = arith.constant 0 : i32
      %dma_start3A_136 = tpu.memref_slice %arg5[%add3A_131, %dma_start3A_135] : memref<136x96xi32, #tpu.memory_space<vmem>> -> memref<1x96xi32, #tpu.memory_space<vmem>>
      %dma_start3A_137 = tpu.memref_squeeze %dma_start3A_136 : memref<1x96xi32, #tpu.memory_space<vmem>> -> memref<96xi32, #tpu.memory_space<vmem>>
      %dma_start3A_138 = arith.constant 0 : i32
      %dma_start3A_139 = arith.constant 0 : i32
      %dma_start3A_140 = tpu.memref_slice %arg2[%dma_start3A_138, %dma_start3A_139] : memref<1000000x30xf32, #tpu.memory_space<hbm>> -> memref<1000000x30xf32, #tpu.memory_space<hbm>>
      tpu.enqueue_indirect_dma source(%dma_start3A_140 : memref<1000000x30xf32, #tpu.memory_space<hbm>>) target(%dma_start3A_134 : memref<96x30xf32, #tpu.memory_space<vmem>>) offsets(%dma_start3A_137 : memref<96xi32, #tpu.memory_space<vmem>>) semaphore(%arg8 : memref<!tpu.dma_semaphore, #tpu.memory_space<semaphore_mem>>)
      %mul3A_141 = arith.constant 17 : i32
      %mul3A_142 = arith.muli %add3A_11, %mul3A_141 : i32
      %add3A_143 = arith.constant 10 : i32
      %add3A_144 = arith.addi %mul3A_142, %add3A_143 : i32
      %dma_start3A_145 = arith.constant 960 : i32
      %dma_start3A_146 = arith.constant 0 : i32
      %dma_start3A_147 = tpu.memref_slice %arg6[%dma_start3A_145, %dma_start3A_146] : memref<1632x30xf32, #tpu.memory_space<vmem>> -> memref<96x30xf32, #tpu.memory_space<vmem>>
      %dma_start3A_148 = arith.constant 0 : i32
      %dma_start3A_149 = tpu.memref_slice %arg5[%add3A_144, %dma_start3A_148] : memref<136x96xi32, #tpu.memory_space<vmem>> -> memref<1x96xi32, #tpu.memory_space<vmem>>
      %dma_start3A_150 = tpu.memref_squeeze %dma_start3A_149 : memref<1x96xi32, #tpu.memory_space<vmem>> -> memref<96xi32, #tpu.memory_space<vmem>>
      %dma_start3A_151 = arith.constant 0 : i32
      %dma_start3A_152 = arith.constant 0 : i32
      %dma_start3A_153 = tpu.memref_slice %arg2[%dma_start3A_151, %dma_start3A_152] : memref<1000000x30xf32, #tpu.memory_space<hbm>> -> memref<1000000x30xf32, #tpu.memory_space<hbm>>
      tpu.enqueue_indirect_dma source(%dma_start3A_153 : memref<1000000x30xf32, #tpu.memory_space<hbm>>) target(%dma_start3A_147 : memref<96x30xf32, #tpu.memory_space<vmem>>) offsets(%dma_start3A_150 : memref<96xi32, #tpu.memory_space<vmem>>) semaphore(%arg8 : memref<!tpu.dma_semaphore, #tpu.memory_space<semaphore_mem>>)
      %mul3A_154 = arith.constant 17 : i32
      %mul3A_155 = arith.muli %add3A_11, %mul3A_154 : i32
      %add3A_156 = arith.constant 11 : i32
      %add3A_157 = arith.addi %mul3A_155, %add3A_156 : i32
      %dma_start3A_158 = arith.constant 1056 : i32
      %dma_start3A_159 = arith.constant 0 : i32
      %dma_start3A_160 = tpu.memref_slice %arg6[%dma_start3A_158, %dma_start3A_159] : memref<1632x30xf32, #tpu.memory_space<vmem>> -> memref<96x30xf32, #tpu.memory_space<vmem>>
      %dma_start3A_161 = arith.constant 0 : i32
      %dma_start3A_162 = tpu.memref_slice %arg5[%add3A_157, %dma_start3A_161] : memref<136x96xi32, #tpu.memory_space<vmem>> -> memref<1x96xi32, #tpu.memory_space<vmem>>
      %dma_start3A_163 = tpu.memref_squeeze %dma_start3A_162 : memref<1x96xi32, #tpu.memory_space<vmem>> -> memref<96xi32, #tpu.memory_space<vmem>>
      %dma_start3A_164 = arith.constant 0 : i32
      %dma_start3A_165 = arith.constant 0 : i32
      %dma_start3A_166 = tpu.memref_slice %arg2[%dma_start3A_164, %dma_start3A_165] : memref<1000000x30xf32, #tpu.memory_space<hbm>> -> memref<1000000x30xf32, #tpu.memory_space<hbm>>
      tpu.enqueue_indirect_dma source(%dma_start3A_166 : memref<1000000x30xf32, #tpu.memory_space<hbm>>) target(%dma_start3A_160 : memref<96x30xf32, #tpu.memory_space<vmem>>) offsets(%dma_start3A_163 : memref<96xi32, #tpu.memory_space<vmem>>) semaphore(%arg8 : memref<!tpu.dma_semaphore, #tpu.memory_space<semaphore_mem>>)
      %mul3A_167 = arith.constant 17 : i32
      %mul3A_168 = arith.muli %add3A_11, %mul3A_167 : i32
      %add3A_169 = arith.constant 12 : i32
      %add3A_170 = arith.addi %mul3A_168, %add3A_169 : i32
      %dma_start3A_171 = arith.constant 1152 : i32
      %dma_start3A_172 = arith.constant 0 : i32
      %dma_start3A_173 = tpu.memref_slice %arg6[%dma_start3A_171, %dma_start3A_172] : memref<1632x30xf32, #tpu.memory_space<vmem>> -> memref<96x30xf32, #tpu.memory_space<vmem>>
      %dma_start3A_174 = arith.constant 0 : i32
      %dma_start3A_175 = tpu.memref_slice %arg5[%add3A_170, %dma_start3A_174] : memref<136x96xi32, #tpu.memory_space<vmem>> -> memref<1x96xi32, #tpu.memory_space<vmem>>
      %dma_start3A_176 = tpu.memref_squeeze %dma_start3A_175 : memref<1x96xi32, #tpu.memory_space<vmem>> -> memref<96xi32, #tpu.memory_space<vmem>>
      %dma_start3A_177 = arith.constant 0 : i32
      %dma_start3A_178 = arith.constant 0 : i32
      %dma_start3A_179 = tpu.memref_slice %arg2[%dma_start3A_177, %dma_start3A_178] : memref<1000000x30xf32, #tpu.memory_space<hbm>> -> memref<1000000x30xf32, #tpu.memory_space<hbm>>
      tpu.enqueue_indirect_dma source(%dma_start3A_179 : memref<1000000x30xf32, #tpu.memory_space<hbm>>) target(%dma_start3A_173 : memref<96x30xf32, #tpu.memory_space<vmem>>) offsets(%dma_start3A_176 : memref<96xi32, #tpu.memory_space<vmem>>) semaphore(%arg8 : memref<!tpu.dma_semaphore, #tpu.memory_space<semaphore_mem>>)
      %mul3A_180 = arith.constant 17 : i32
      %mul3A_181 = arith.muli %add3A_11, %mul3A_180 : i32
      %add3A_182 = arith.constant 13 : i32
      %add3A_183 = arith.addi %mul3A_181, %add3A_182 : i32
      %dma_start3A_184 = arith.constant 1248 : i32
      %dma_start3A_185 = arith.constant 0 : i32
      %dma_start3A_186 = tpu.memref_slice %arg6[%dma_start3A_184, %dma_start3A_185] : memref<1632x30xf32, #tpu.memory_space<vmem>> -> memref<96x30xf32, #tpu.memory_space<vmem>>
      %dma_start3A_187 = arith.constant 0 : i32
      %dma_start3A_188 = tpu.memref_slice %arg5[%add3A_183, %dma_start3A_187] : memref<136x96xi32, #tpu.memory_space<vmem>> -> memref<1x96xi32, #tpu.memory_space<vmem>>
      %dma_start3A_189 = tpu.memref_squeeze %dma_start3A_188 : memref<1x96xi32, #tpu.memory_space<vmem>> -> memref<96xi32, #tpu.memory_space<vmem>>
      %dma_start3A_190 = arith.constant 0 : i32
      %dma_start3A_191 = arith.constant 0 : i32
      %dma_start3A_192 = tpu.memref_slice %arg2[%dma_start3A_190, %dma_start3A_191] : memref<1000000x30xf32, #tpu.memory_space<hbm>> -> memref<1000000x30xf32, #tpu.memory_space<hbm>>
      tpu.enqueue_indirect_dma source(%dma_start3A_192 : memref<1000000x30xf32, #tpu.memory_space<hbm>>) target(%dma_start3A_186 : memref<96x30xf32, #tpu.memory_space<vmem>>) offsets(%dma_start3A_189 : memref<96xi32, #tpu.memory_space<vmem>>) semaphore(%arg8 : memref<!tpu.dma_semaphore, #tpu.memory_space<semaphore_mem>>)
      %mul3A_193 = arith.constant 17 : i32
      %mul3A_194 = arith.muli %add3A_11, %mul3A_193 : i32
      %add3A_195 = arith.constant 14 : i32
      %add3A_196 = arith.addi %mul3A_194, %add3A_195 : i32
      %dma_start3A_197 = arith.constant 1344 : i32
      %dma_start3A_198 = arith.constant 0 : i32
      %dma_start3A_199 = tpu.memref_slice %arg6[%dma_start3A_197, %dma_start3A_198] : memref<1632x30xf32, #tpu.memory_space<vmem>> -> memref<96x30xf32, #tpu.memory_space<vmem>>
      %dma_start3A_200 = arith.constant 0 : i32
      %dma_start3A_201 = tpu.memref_slice %arg5[%add3A_196, %dma_start3A_200] : memref<136x96xi32, #tpu.memory_space<vmem>> -> memref<1x96xi32, #tpu.memory_space<vmem>>
      %dma_start3A_202 = tpu.memref_squeeze %dma_start3A_201 : memref<1x96xi32, #tpu.memory_space<vmem>> -> memref<96xi32, #tpu.memory_space<vmem>>
      %dma_start3A_203 = arith.constant 0 : i32
      %dma_start3A_204 = arith.constant 0 : i32
      %dma_start3A_205 = tpu.memref_slice %arg2[%dma_start3A_203, %dma_start3A_204] : memref<1000000x30xf32, #tpu.memory_space<hbm>> -> memref<1000000x30xf32, #tpu.memory_space<hbm>>
      tpu.enqueue_indirect_dma source(%dma_start3A_205 : memref<1000000x30xf32, #tpu.memory_space<hbm>>) target(%dma_start3A_199 : memref<96x30xf32, #tpu.memory_space<vmem>>) offsets(%dma_start3A_202 : memref<96xi32, #tpu.memory_space<vmem>>) semaphore(%arg8 : memref<!tpu.dma_semaphore, #tpu.memory_space<semaphore_mem>>)
      %mul3A_206 = arith.constant 17 : i32
      %mul3A_207 = arith.muli %add3A_11, %mul3A_206 : i32
      %add3A_208 = arith.constant 15 : i32
      %add3A_209 = arith.addi %mul3A_207, %add3A_208 : i32
      %dma_start3A_210 = arith.constant 1440 : i32
      %dma_start3A_211 = arith.constant 0 : i32
      %dma_start3A_212 = tpu.memref_slice %arg6[%dma_start3A_210, %dma_start3A_211] : memref<1632x30xf32, #tpu.memory_space<vmem>> -> memref<96x30xf32, #tpu.memory_space<vmem>>
      %dma_start3A_213 = arith.constant 0 : i32
      %dma_start3A_214 = tpu.memref_slice %arg5[%add3A_209, %dma_start3A_213] : memref<136x96xi32, #tpu.memory_space<vmem>> -> memref<1x96xi32, #tpu.memory_space<vmem>>
      %dma_start3A_215 = tpu.memref_squeeze %dma_start3A_214 : memref<1x96xi32, #tpu.memory_space<vmem>> -> memref<96xi32, #tpu.memory_space<vmem>>
      %dma_start3A_216 = arith.constant 0 : i32
      %dma_start3A_217 = arith.constant 0 : i32
      %dma_start3A_218 = tpu.memref_slice %arg2[%dma_start3A_216, %dma_start3A_217] : memref<1000000x30xf32, #tpu.memory_space<hbm>> -> memref<1000000x30xf32, #tpu.memory_space<hbm>>
      tpu.enqueue_indirect_dma source(%dma_start3A_218 : memref<1000000x30xf32, #tpu.memory_space<hbm>>) target(%dma_start3A_212 : memref<96x30xf32, #tpu.memory_space<vmem>>) offsets(%dma_start3A_215 : memref<96xi32, #tpu.memory_space<vmem>>) semaphore(%arg8 : memref<!tpu.dma_semaphore, #tpu.memory_space<semaphore_mem>>)
      %mul3A_219 = arith.constant 17 : i32
      %mul3A_220 = arith.muli %add3A_11, %mul3A_219 : i32
      %add3A_221 = arith.constant 16 : i32
      %add3A_222 = arith.addi %mul3A_220, %add3A_221 : i32
      %dma_start3A_223 = arith.constant 1536 : i32
      %dma_start3A_224 = arith.constant 0 : i32
      %dma_start3A_225 = tpu.memref_slice %arg6[%dma_start3A_223, %dma_start3A_224] : memref<1632x30xf32, #tpu.memory_space<vmem>> -> memref<96x30xf32, #tpu.memory_space<vmem>>
      %dma_start3A_226 = arith.constant 0 : i32
      %dma_start3A_227 = tpu.memref_slice %arg5[%add3A_222, %dma_start3A_226] : memref<136x96xi32, #tpu.memory_space<vmem>> -> memref<1x96xi32, #tpu.memory_space<vmem>>
      %dma_start3A_228 = tpu.memref_squeeze %dma_start3A_227 : memref<1x96xi32, #tpu.memory_space<vmem>> -> memref<96xi32, #tpu.memory_space<vmem>>
      %dma_start3A_229 = arith.constant 0 : i32
      %dma_start3A_230 = arith.constant 0 : i32
      %dma_start3A_231 = tpu.memref_slice %arg2[%dma_start3A_229, %dma_start3A_230] : memref<1000000x30xf32, #tpu.memory_space<hbm>> -> memref<1000000x30xf32, #tpu.memory_space<hbm>>
      tpu.enqueue_indirect_dma source(%dma_start3A_231 : memref<1000000x30xf32, #tpu.memory_space<hbm>>) target(%dma_start3A_225 : memref<96x30xf32, #tpu.memory_space<vmem>>) offsets(%dma_start3A_228 : memref<96xi32, #tpu.memory_space<vmem>>) semaphore(%arg8 : memref<!tpu.dma_semaphore, #tpu.memory_space<semaphore_mem>>)
      %dma_wait3A = arith.constant 0 : i32
      %dma_wait3A_232 = arith.constant 0 : i32
      %dma_wait3A_233 = tpu.memref_slice %arg6[%dma_wait3A, %dma_wait3A_232] : memref<1632x30xf32, #tpu.memory_space<vmem>> -> memref<96x30xf32, #tpu.memory_space<vmem>>
      %dma_wait3A_234 = arith.constant 0 : i32
      %dma_wait3A_235 = tpu.memref_slice %arg5[%add3A_15, %dma_wait3A_234] : memref<136x96xi32, #tpu.memory_space<vmem>> -> memref<1x96xi32, #tpu.memory_space<vmem>>
      %dma_wait3A_236 = tpu.memref_squeeze %dma_wait3A_235 : memref<1x96xi32, #tpu.memory_space<vmem>> -> memref<96xi32, #tpu.memory_space<vmem>>
      %dma_wait3A_237 = arith.constant 0 : i32
      %dma_wait3A_238 = arith.constant 0 : i32
      %dma_wait3A_239 = tpu.memref_slice %arg2[%dma_wait3A_237, %dma_wait3A_238] : memref<1000000x30xf32, #tpu.memory_space<hbm>> -> memref<1000000x30xf32, #tpu.memory_space<hbm>>
      tpu.wait_indirect_dma semaphore(%arg8 : memref<!tpu.dma_semaphore, #tpu.memory_space<semaphore_mem>>) src(%dma_wait3A_239 : memref<1000000x30xf32, #tpu.memory_space<hbm>>) dst(%dma_wait3A_233 : memref<96x30xf32, #tpu.memory_space<vmem>>)
      %dma_wait3A_240 = arith.constant 96 : i32
      %dma_wait3A_241 = arith.constant 0 : i32
      %dma_wait3A_242 = tpu.memref_slice %arg6[%dma_wait3A_240, %dma_wait3A_241] : memref<1632x30xf32, #tpu.memory_space<vmem>> -> memref<96x30xf32, #tpu.memory_space<vmem>>
      %dma_wait3A_243 = arith.constant 0 : i32
      %dma_wait3A_244 = tpu.memref_slice %arg5[%add3A_27, %dma_wait3A_243] : memref<136x96xi32, #tpu.memory_space<vmem>> -> memref<1x96xi32, #tpu.memory_space<vmem>>
      %dma_wait3A_245 = tpu.memref_squeeze %dma_wait3A_244 : memref<1x96xi32, #tpu.memory_space<vmem>> -> memref<96xi32, #tpu.memory_space<vmem>>
      %dma_wait3A_246 = arith.constant 0 : i32
      %dma_wait3A_247 = arith.constant 0 : i32
      %dma_wait3A_248 = tpu.memref_slice %arg2[%dma_wait3A_246, %dma_wait3A_247] : memref<1000000x30xf32, #tpu.memory_space<hbm>> -> memref<1000000x30xf32, #tpu.memory_space<hbm>>
      tpu.wait_indirect_dma semaphore(%arg8 : memref<!tpu.dma_semaphore, #tpu.memory_space<semaphore_mem>>) src(%dma_wait3A_248 : memref<1000000x30xf32, #tpu.memory_space<hbm>>) dst(%dma_wait3A_242 : memref<96x30xf32, #tpu.memory_space<vmem>>)
      %dma_wait3A_249 = arith.constant 192 : i32
      %dma_wait3A_250 = arith.constant 0 : i32
      %dma_wait3A_251 = tpu.memref_slice %arg6[%dma_wait3A_249, %dma_wait3A_250] : memref<1632x30xf32, #tpu.memory_space<vmem>> -> memref<96x30xf32, #tpu.memory_space<vmem>>
      %dma_wait3A_252 = arith.constant 0 : i32
      %dma_wait3A_253 = tpu.memref_slice %arg5[%add3A_40, %dma_wait3A_252] : memref<136x96xi32, #tpu.memory_space<vmem>> -> memref<1x96xi32, #tpu.memory_space<vmem>>
      %dma_wait3A_254 = tpu.memref_squeeze %dma_wait3A_253 : memref<1x96xi32, #tpu.memory_space<vmem>> -> memref<96xi32, #tpu.memory_space<vmem>>
      %dma_wait3A_255 = arith.constant 0 : i32
      %dma_wait3A_256 = arith.constant 0 : i32
      %dma_wait3A_257 = tpu.memref_slice %arg2[%dma_wait3A_255, %dma_wait3A_256] : memref<1000000x30xf32, #tpu.memory_space<hbm>> -> memref<1000000x30xf32, #tpu.memory_space<hbm>>
      tpu.wait_indirect_dma semaphore(%arg8 : memref<!tpu.dma_semaphore, #tpu.memory_space<semaphore_mem>>) src(%dma_wait3A_257 : memref<1000000x30xf32, #tpu.memory_space<hbm>>) dst(%dma_wait3A_251 : memref<96x30xf32, #tpu.memory_space<vmem>>)
      %dma_wait3A_258 = arith.constant 288 : i32
      %dma_wait3A_259 = arith.constant 0 : i32
      %dma_wait3A_260 = tpu.memref_slice %arg6[%dma_wait3A_258, %dma_wait3A_259] : memref<1632x30xf32, #tpu.memory_space<vmem>> -> memref<96x30xf32, #tpu.memory_space<vmem>>
      %dma_wait3A_261 = arith.constant 0 : i32
      %dma_wait3A_262 = tpu.memref_slice %arg5[%add3A_53, %dma_wait3A_261] : memref<136x96xi32, #tpu.memory_space<vmem>> -> memref<1x96xi32, #tpu.memory_space<vmem>>
      %dma_wait3A_263 = tpu.memref_squeeze %dma_wait3A_262 : memref<1x96xi32, #tpu.memory_space<vmem>> -> memref<96xi32, #tpu.memory_space<vmem>>
      %dma_wait3A_264 = arith.constant 0 : i32
      %dma_wait3A_265 = arith.constant 0 : i32
      %dma_wait3A_266 = tpu.memref_slice %arg2[%dma_wait3A_264, %dma_wait3A_265] : memref<1000000x30xf32, #tpu.memory_space<hbm>> -> memref<1000000x30xf32, #tpu.memory_space<hbm>>
      tpu.wait_indirect_dma semaphore(%arg8 : memref<!tpu.dma_semaphore, #tpu.memory_space<semaphore_mem>>) src(%dma_wait3A_266 : memref<1000000x30xf32, #tpu.memory_space<hbm>>) dst(%dma_wait3A_260 : memref<96x30xf32, #tpu.memory_space<vmem>>)
      %dma_wait3A_267 = arith.constant 384 : i32
      %dma_wait3A_268 = arith.constant 0 : i32
      %dma_wait3A_269 = tpu.memref_slice %arg6[%dma_wait3A_267, %dma_wait3A_268] : memref<1632x30xf32, #tpu.memory_space<vmem>> -> memref<96x30xf32, #tpu.memory_space<vmem>>
      %dma_wait3A_270 = arith.constant 0 : i32
      %dma_wait3A_271 = tpu.memref_slice %arg5[%add3A_66, %dma_wait3A_270] : memref<136x96xi32, #tpu.memory_space<vmem>> -> memref<1x96xi32, #tpu.memory_space<vmem>>
      %dma_wait3A_272 = tpu.memref_squeeze %dma_wait3A_271 : memref<1x96xi32, #tpu.memory_space<vmem>> -> memref<96xi32, #tpu.memory_space<vmem>>
      %dma_wait3A_273 = arith.constant 0 : i32
      %dma_wait3A_274 = arith.constant 0 : i32
      %dma_wait3A_275 = tpu.memref_slice %arg2[%dma_wait3A_273, %dma_wait3A_274] : memref<1000000x30xf32, #tpu.memory_space<hbm>> -> memref<1000000x30xf32, #tpu.memory_space<hbm>>
      tpu.wait_indirect_dma semaphore(%arg8 : memref<!tpu.dma_semaphore, #tpu.memory_space<semaphore_mem>>) src(%dma_wait3A_275 : memref<1000000x30xf32, #tpu.memory_space<hbm>>) dst(%dma_wait3A_269 : memref<96x30xf32, #tpu.memory_space<vmem>>)
      %dma_wait3A_276 = arith.constant 480 : i32
      %dma_wait3A_277 = arith.constant 0 : i32
      %dma_wait3A_278 = tpu.memref_slice %arg6[%dma_wait3A_276, %dma_wait3A_277] : memref<1632x30xf32, #tpu.memory_space<vmem>> -> memref<96x30xf32, #tpu.memory_space<vmem>>
      %dma_wait3A_279 = arith.constant 0 : i32
      %dma_wait3A_280 = tpu.memref_slice %arg5[%add3A_79, %dma_wait3A_279] : memref<136x96xi32, #tpu.memory_space<vmem>> -> memref<1x96xi32, #tpu.memory_space<vmem>>
      %dma_wait3A_281 = tpu.memref_squeeze %dma_wait3A_280 : memref<1x96xi32, #tpu.memory_space<vmem>> -> memref<96xi32, #tpu.memory_space<vmem>>
      %dma_wait3A_282 = arith.constant 0 : i32
      %dma_wait3A_283 = arith.constant 0 : i32
      %dma_wait3A_284 = tpu.memref_slice %arg2[%dma_wait3A_282, %dma_wait3A_283] : memref<1000000x30xf32, #tpu.memory_space<hbm>> -> memref<1000000x30xf32, #tpu.memory_space<hbm>>
      tpu.wait_indirect_dma semaphore(%arg8 : memref<!tpu.dma_semaphore, #tpu.memory_space<semaphore_mem>>) src(%dma_wait3A_284 : memref<1000000x30xf32, #tpu.memory_space<hbm>>) dst(%dma_wait3A_278 : memref<96x30xf32, #tpu.memory_space<vmem>>)
      %dma_wait3A_285 = arith.constant 576 : i32
      %dma_wait3A_286 = arith.constant 0 : i32
      %dma_wait3A_287 = tpu.memref_slice %arg6[%dma_wait3A_285, %dma_wait3A_286] : memref<1632x30xf32, #tpu.memory_space<vmem>> -> memref<96x30xf32, #tpu.memory_space<vmem>>
      %dma_wait3A_288 = arith.constant 0 : i32
      %dma_wait3A_289 = tpu.memref_slice %arg5[%add3A_92, %dma_wait3A_288] : memref<136x96xi32, #tpu.memory_space<vmem>> -> memref<1x96xi32, #tpu.memory_space<vmem>>
      %dma_wait3A_290 = tpu.memref_squeeze %dma_wait3A_289 : memref<1x96xi32, #tpu.memory_space<vmem>> -> memref<96xi32, #tpu.memory_space<vmem>>
      %dma_wait3A_291 = arith.constant 0 : i32
      %dma_wait3A_292 = arith.constant 0 : i32
      %dma_wait3A_293 = tpu.memref_slice %arg2[%dma_wait3A_291, %dma_wait3A_292] : memref<1000000x30xf32, #tpu.memory_space<hbm>> -> memref<1000000x30xf32, #tpu.memory_space<hbm>>
      tpu.wait_indirect_dma semaphore(%arg8 : memref<!tpu.dma_semaphore, #tpu.memory_space<semaphore_mem>>) src(%dma_wait3A_293 : memref<1000000x30xf32, #tpu.memory_space<hbm>>) dst(%dma_wait3A_287 : memref<96x30xf32, #tpu.memory_space<vmem>>)
      %dma_wait3A_294 = arith.constant 672 : i32
      %dma_wait3A_295 = arith.constant 0 : i32
      %dma_wait3A_296 = tpu.memref_slice %arg6[%dma_wait3A_294, %dma_wait3A_295] : memref<1632x30xf32, #tpu.memory_space<vmem>> -> memref<96x30xf32, #tpu.memory_space<vmem>>
      %dma_wait3A_297 = arith.constant 0 : i32
      %dma_wait3A_298 = tpu.memref_slice %arg5[%add3A_105, %dma_wait3A_297] : memref<136x96xi32, #tpu.memory_space<vmem>> -> memref<1x96xi32, #tpu.memory_space<vmem>>
      %dma_wait3A_299 = tpu.memref_squeeze %dma_wait3A_298 : memref<1x96xi32, #tpu.memory_space<vmem>> -> memref<96xi32, #tpu.memory_space<vmem>>
      %dma_wait3A_300 = arith.constant 0 : i32
      %dma_wait3A_301 = arith.constant 0 : i32
      %dma_wait3A_302 = tpu.memref_slice %arg2[%dma_wait3A_300, %dma_wait3A_301] : memref<1000000x30xf32, #tpu.memory_space<hbm>> -> memref<1000000x30xf32, #tpu.memory_space<hbm>>
      tpu.wait_indirect_dma semaphore(%arg8 : memref<!tpu.dma_semaphore, #tpu.memory_space<semaphore_mem>>) src(%dma_wait3A_302 : memref<1000000x30xf32, #tpu.memory_space<hbm>>) dst(%dma_wait3A_296 : memref<96x30xf32, #tpu.memory_space<vmem>>)
      %dma_wait3A_303 = arith.constant 768 : i32
      %dma_wait3A_304 = arith.constant 0 : i32
      %dma_wait3A_305 = tpu.memref_slice %arg6[%dma_wait3A_303, %dma_wait3A_304] : memref<1632x30xf32, #tpu.memory_space<vmem>> -> memref<96x30xf32, #tpu.memory_space<vmem>>
      %dma_wait3A_306 = arith.constant 0 : i32
      %dma_wait3A_307 = tpu.memref_slice %arg5[%add3A_118, %dma_wait3A_306] : memref<136x96xi32, #tpu.memory_space<vmem>> -> memref<1x96xi32, #tpu.memory_space<vmem>>
      %dma_wait3A_308 = tpu.memref_squeeze %dma_wait3A_307 : memref<1x96xi32, #tpu.memory_space<vmem>> -> memref<96xi32, #tpu.memory_space<vmem>>
      %dma_wait3A_309 = arith.constant 0 : i32
      %dma_wait3A_310 = arith.constant 0 : i32
      %dma_wait3A_311 = tpu.memref_slice %arg2[%dma_wait3A_309, %dma_wait3A_310] : memref<1000000x30xf32, #tpu.memory_space<hbm>> -> memref<1000000x30xf32, #tpu.memory_space<hbm>>
      tpu.wait_indirect_dma semaphore(%arg8 : memref<!tpu.dma_semaphore, #tpu.memory_space<semaphore_mem>>) src(%dma_wait3A_311 : memref<1000000x30xf32, #tpu.memory_space<hbm>>) dst(%dma_wait3A_305 : memref<96x30xf32, #tpu.memory_space<vmem>>)
      %dma_wait3A_312 = arith.constant 864 : i32
      %dma_wait3A_313 = arith.constant 0 : i32
      %dma_wait3A_314 = tpu.memref_slice %arg6[%dma_wait3A_312, %dma_wait3A_313] : memref<1632x30xf32, #tpu.memory_space<vmem>> -> memref<96x30xf32, #tpu.memory_space<vmem>>
      %dma_wait3A_315 = arith.constant 0 : i32
      %dma_wait3A_316 = tpu.memref_slice %arg5[%add3A_131, %dma_wait3A_315] : memref<136x96xi32, #tpu.memory_space<vmem>> -> memref<1x96xi32, #tpu.memory_space<vmem>>
      %dma_wait3A_317 = tpu.memref_squeeze %dma_wait3A_316 : memref<1x96xi32, #tpu.memory_space<vmem>> -> memref<96xi32, #tpu.memory_space<vmem>>
      %dma_wait3A_318 = arith.constant 0 : i32
      %dma_wait3A_319 = arith.constant 0 : i32
      %dma_wait3A_320 = tpu.memref_slice %arg2[%dma_wait3A_318, %dma_wait3A_319] : memref<1000000x30xf32, #tpu.memory_space<hbm>> -> memref<1000000x30xf32, #tpu.memory_space<hbm>>
      tpu.wait_indirect_dma semaphore(%arg8 : memref<!tpu.dma_semaphore, #tpu.memory_space<semaphore_mem>>) src(%dma_wait3A_320 : memref<1000000x30xf32, #tpu.memory_space<hbm>>) dst(%dma_wait3A_314 : memref<96x30xf32, #tpu.memory_space<vmem>>)
      %dma_wait3A_321 = arith.constant 960 : i32
      %dma_wait3A_322 = arith.constant 0 : i32
      %dma_wait3A_323 = tpu.memref_slice %arg6[%dma_wait3A_321, %dma_wait3A_322] : memref<1632x30xf32, #tpu.memory_space<vmem>> -> memref<96x30xf32, #tpu.memory_space<vmem>>
      %dma_wait3A_324 = arith.constant 0 : i32
      %dma_wait3A_325 = tpu.memref_slice %arg5[%add3A_144, %dma_wait3A_324] : memref<136x96xi32, #tpu.memory_space<vmem>> -> memref<1x96xi32, #tpu.memory_space<vmem>>
      %dma_wait3A_326 = tpu.memref_squeeze %dma_wait3A_325 : memref<1x96xi32, #tpu.memory_space<vmem>> -> memref<96xi32, #tpu.memory_space<vmem>>
      %dma_wait3A_327 = arith.constant 0 : i32
      %dma_wait3A_328 = arith.constant 0 : i32
      %dma_wait3A_329 = tpu.memref_slice %arg2[%dma_wait3A_327, %dma_wait3A_328] : memref<1000000x30xf32, #tpu.memory_space<hbm>> -> memref<1000000x30xf32, #tpu.memory_space<hbm>>
      tpu.wait_indirect_dma semaphore(%arg8 : memref<!tpu.dma_semaphore, #tpu.memory_space<semaphore_mem>>) src(%dma_wait3A_329 : memref<1000000x30xf32, #tpu.memory_space<hbm>>) dst(%dma_wait3A_323 : memref<96x30xf32, #tpu.memory_space<vmem>>)
      %dma_wait3A_330 = arith.constant 1056 : i32
      %dma_wait3A_331 = arith.constant 0 : i32
      %dma_wait3A_332 = tpu.memref_slice %arg6[%dma_wait3A_330, %dma_wait3A_331] : memref<1632x30xf32, #tpu.memory_space<vmem>> -> memref<96x30xf32, #tpu.memory_space<vmem>>
      %dma_wait3A_333 = arith.constant 0 : i32
      %dma_wait3A_334 = tpu.memref_slice %arg5[%add3A_157, %dma_wait3A_333] : memref<136x96xi32, #tpu.memory_space<vmem>> -> memref<1x96xi32, #tpu.memory_space<vmem>>
      %dma_wait3A_335 = tpu.memref_squeeze %dma_wait3A_334 : memref<1x96xi32, #tpu.memory_space<vmem>> -> memref<96xi32, #tpu.memory_space<vmem>>
      %dma_wait3A_336 = arith.constant 0 : i32
      %dma_wait3A_337 = arith.constant 0 : i32
      %dma_wait3A_338 = tpu.memref_slice %arg2[%dma_wait3A_336, %dma_wait3A_337] : memref<1000000x30xf32, #tpu.memory_space<hbm>> -> memref<1000000x30xf32, #tpu.memory_space<hbm>>
      tpu.wait_indirect_dma semaphore(%arg8 : memref<!tpu.dma_semaphore, #tpu.memory_space<semaphore_mem>>) src(%dma_wait3A_338 : memref<1000000x30xf32, #tpu.memory_space<hbm>>) dst(%dma_wait3A_332 : memref<96x30xf32, #tpu.memory_space<vmem>>)
      %dma_wait3A_339 = arith.constant 1152 : i32
      %dma_wait3A_340 = arith.constant 0 : i32
      %dma_wait3A_341 = tpu.memref_slice %arg6[%dma_wait3A_339, %dma_wait3A_340] : memref<1632x30xf32, #tpu.memory_space<vmem>> -> memref<96x30xf32, #tpu.memory_space<vmem>>
      %dma_wait3A_342 = arith.constant 0 : i32
      %dma_wait3A_343 = tpu.memref_slice %arg5[%add3A_170, %dma_wait3A_342] : memref<136x96xi32, #tpu.memory_space<vmem>> -> memref<1x96xi32, #tpu.memory_space<vmem>>
      %dma_wait3A_344 = tpu.memref_squeeze %dma_wait3A_343 : memref<1x96xi32, #tpu.memory_space<vmem>> -> memref<96xi32, #tpu.memory_space<vmem>>
      %dma_wait3A_345 = arith.constant 0 : i32
      %dma_wait3A_346 = arith.constant 0 : i32
      %dma_wait3A_347 = tpu.memref_slice %arg2[%dma_wait3A_345, %dma_wait3A_346] : memref<1000000x30xf32, #tpu.memory_space<hbm>> -> memref<1000000x30xf32, #tpu.memory_space<hbm>>
      tpu.wait_indirect_dma semaphore(%arg8 : memref<!tpu.dma_semaphore, #tpu.memory_space<semaphore_mem>>) src(%dma_wait3A_347 : memref<1000000x30xf32, #tpu.memory_space<hbm>>) dst(%dma_wait3A_341 : memref<96x30xf32, #tpu.memory_space<vmem>>)
      %dma_wait3A_348 = arith.constant 1248 : i32
      %dma_wait3A_349 = arith.constant 0 : i32
      %dma_wait3A_350 = tpu.memref_slice %arg6[%dma_wait3A_348, %dma_wait3A_349] : memref<1632x30xf32, #tpu.memory_space<vmem>> -> memref<96x30xf32, #tpu.memory_space<vmem>>
      %dma_wait3A_351 = arith.constant 0 : i32
      %dma_wait3A_352 = tpu.memref_slice %arg5[%add3A_183, %dma_wait3A_351] : memref<136x96xi32, #tpu.memory_space<vmem>> -> memref<1x96xi32, #tpu.memory_space<vmem>>
      %dma_wait3A_353 = tpu.memref_squeeze %dma_wait3A_352 : memref<1x96xi32, #tpu.memory_space<vmem>> -> memref<96xi32, #tpu.memory_space<vmem>>
      %dma_wait3A_354 = arith.constant 0 : i32
      %dma_wait3A_355 = arith.constant 0 : i32
      %dma_wait3A_356 = tpu.memref_slice %arg2[%dma_wait3A_354, %dma_wait3A_355] : memref<1000000x30xf32, #tpu.memory_space<hbm>> -> memref<1000000x30xf32, #tpu.memory_space<hbm>>
      tpu.wait_indirect_dma semaphore(%arg8 : memref<!tpu.dma_semaphore, #tpu.memory_space<semaphore_mem>>) src(%dma_wait3A_356 : memref<1000000x30xf32, #tpu.memory_space<hbm>>) dst(%dma_wait3A_350 : memref<96x30xf32, #tpu.memory_space<vmem>>)
      %dma_wait3A_357 = arith.constant 1344 : i32
      %dma_wait3A_358 = arith.constant 0 : i32
      %dma_wait3A_359 = tpu.memref_slice %arg6[%dma_wait3A_357, %dma_wait3A_358] : memref<1632x30xf32, #tpu.memory_space<vmem>> -> memref<96x30xf32, #tpu.memory_space<vmem>>
      %dma_wait3A_360 = arith.constant 0 : i32
      %dma_wait3A_361 = tpu.memref_slice %arg5[%add3A_196, %dma_wait3A_360] : memref<136x96xi32, #tpu.memory_space<vmem>> -> memref<1x96xi32, #tpu.memory_space<vmem>>
      %dma_wait3A_362 = tpu.memref_squeeze %dma_wait3A_361 : memref<1x96xi32, #tpu.memory_space<vmem>> -> memref<96xi32, #tpu.memory_space<vmem>>
      %dma_wait3A_363 = arith.constant 0 : i32
      %dma_wait3A_364 = arith.constant 0 : i32
      %dma_wait3A_365 = tpu.memref_slice %arg2[%dma_wait3A_363, %dma_wait3A_364] : memref<1000000x30xf32, #tpu.memory_space<hbm>> -> memref<1000000x30xf32, #tpu.memory_space<hbm>>
      tpu.wait_indirect_dma semaphore(%arg8 : memref<!tpu.dma_semaphore, #tpu.memory_space<semaphore_mem>>) src(%dma_wait3A_365 : memref<1000000x30xf32, #tpu.memory_space<hbm>>) dst(%dma_wait3A_359 : memref<96x30xf32, #tpu.memory_space<vmem>>)
      %dma_wait3A_366 = arith.constant 1440 : i32
      %dma_wait3A_367 = arith.constant 0 : i32
      %dma_wait3A_368 = tpu.memref_slice %arg6[%dma_wait3A_366, %dma_wait3A_367] : memref<1632x30xf32, #tpu.memory_space<vmem>> -> memref<96x30xf32, #tpu.memory_space<vmem>>
      %dma_wait3A_369 = arith.constant 0 : i32
      %dma_wait3A_370 = tpu.memref_slice %arg5[%add3A_209, %dma_wait3A_369] : memref<136x96xi32, #tpu.memory_space<vmem>> -> memref<1x96xi32, #tpu.memory_space<vmem>>
      %dma_wait3A_371 = tpu.memref_squeeze %dma_wait3A_370 : memref<1x96xi32, #tpu.memory_space<vmem>> -> memref<96xi32, #tpu.memory_space<vmem>>
      %dma_wait3A_372 = arith.constant 0 : i32
      %dma_wait3A_373 = arith.constant 0 : i32
      %dma_wait3A_374 = tpu.memref_slice %arg2[%dma_wait3A_372, %dma_wait3A_373] : memref<1000000x30xf32, #tpu.memory_space<hbm>> -> memref<1000000x30xf32, #tpu.memory_space<hbm>>
      tpu.wait_indirect_dma semaphore(%arg8 : memref<!tpu.dma_semaphore, #tpu.memory_space<semaphore_mem>>) src(%dma_wait3A_374 : memref<1000000x30xf32, #tpu.memory_space<hbm>>) dst(%dma_wait3A_368 : memref<96x30xf32, #tpu.memory_space<vmem>>)
      %dma_wait3A_375 = arith.constant 1536 : i32
      %dma_wait3A_376 = arith.constant 0 : i32
      %dma_wait3A_377 = tpu.memref_slice %arg6[%dma_wait3A_375, %dma_wait3A_376] : memref<1632x30xf32, #tpu.memory_space<vmem>> -> memref<96x30xf32, #tpu.memory_space<vmem>>
      %dma_wait3A_378 = arith.constant 0 : i32
      %dma_wait3A_379 = tpu.memref_slice %arg5[%add3A_222, %dma_wait3A_378] : memref<136x96xi32, #tpu.memory_space<vmem>> -> memref<1x96xi32, #tpu.memory_space<vmem>>
      %dma_wait3A_380 = tpu.memref_squeeze %dma_wait3A_379 : memref<1x96xi32, #tpu.memory_space<vmem>> -> memref<96xi32, #tpu.memory_space<vmem>>
      %dma_wait3A_381 = arith.constant 0 : i32
      %dma_wait3A_382 = arith.constant 0 : i32
      %dma_wait3A_383 = tpu.memref_slice %arg2[%dma_wait3A_381, %dma_wait3A_382] : memref<1000000x30xf32, #tpu.memory_space<hbm>> -> memref<1000000x30xf32, #tpu.memory_space<hbm>>
      tpu.wait_indirect_dma semaphore(%arg8 : memref<!tpu.dma_semaphore, #tpu.memory_space<semaphore_mem>>) src(%dma_wait3A_383 : memref<1000000x30xf32, #tpu.memory_space<hbm>>) dst(%dma_wait3A_377 : memref<96x30xf32, #tpu.memory_space<vmem>>)
      %mul3A_384 = arith.constant 1632 : i32
      %mul3A_385 = arith.muli %add3A_11, %mul3A_384 : i32
      %add3A_386 = arith.addi %mul3A_2, %mul3A_385 : i32
      "tpu.region"() ({
        %run_scoped3A = tpu.sem_alloc : memref<!tpu.dma_semaphore, #tpu.memory_space<semaphore_mem>>
        %dma_start3A_387 = arith.constant 0 : i32
        %dma_start3A_388 = tpu.memref_slice %arg4[%add3A_386, %dma_start3A_387] : memref<417792x30xf32, #tpu.memory_space<hbm>> -> memref<1632x30xf32, #tpu.memory_space<hbm>>
        %dma_start3A_389 = arith.constant 0 : i32
        %dma_start3A_390 = tpu.memref_slice %arg4[%add3A_386, %dma_start3A_389] : memref<417792x30xf32, #tpu.memory_space<hbm>> -> memref<1632x30xf32, #tpu.memory_space<hbm>>
        tpu.enqueue_dma source(%arg6 : memref<1632x30xf32, #tpu.memory_space<vmem>>) target(%dma_start3A_390 : memref<1632x30xf32, #tpu.memory_space<hbm>>) target_semaphore(%run_scoped3A : memref<!tpu.dma_semaphore, #tpu.memory_space<semaphore_mem>>)
        %dma_wait3A_391 = arith.constant 0 : i32
        %dma_wait3A_392 = tpu.memref_slice %arg4[%add3A_386, %dma_wait3A_391] : memref<417792x30xf32, #tpu.memory_space<hbm>> -> memref<1632x30xf32, #tpu.memory_space<hbm>>
        %dma_wait3A_393 = arith.constant 0 : i32
        %dma_wait3A_394 = tpu.memref_slice %arg4[%add3A_386, %dma_wait3A_393] : memref<417792x30xf32, #tpu.memory_space<hbm>> -> memref<1632x30xf32, #tpu.memory_space<hbm>>
        tpu.wait_dma2 semaphore(%run_scoped3A : memref<!tpu.dma_semaphore, #tpu.memory_space<semaphore_mem>>) src(%arg6 : memref<1632x30xf32, #tpu.memory_space<vmem>>) dst(%dma_wait3A_394 : memref<1632x30xf32, #tpu.memory_space<hbm>>)
        tpu.yield
      }) : () -> ()
    }
    %scan3A_6 = arith.constant 8 : i32
    return
  }
}

module attributes {stable_mosaic.version = 14 : i64} {
  func.func @_tc_kernel(%arg0: i32, %arg1: memref<200x30x256xf32, #tpu.memory_space<vmem>>, %arg2: memref<200x30x256xf32, #tpu.memory_space<vmem>>, %arg3: memref<30x256xf32, #tpu.memory_space<vmem>>, %arg4: memref<210x256xf32, #tpu.memory_space<vmem>>, %arg5: memref<1x256xi32, #tpu.memory_space<vmem>>, %arg6: memref<40x30xf32, #tpu.memory_space<vmem>>, %arg7: memref<40x30xf32, #tpu.memory_space<vmem>>, %arg8: memref<40x30xf32, #tpu.memory_space<vmem>>, %arg9: memref<1x40xf32, #tpu.memory_space<vmem>>, %arg10: memref<40x1xf32, #tpu.memory_space<vmem>>, %arg11: memref<1x1xf32, #tpu.memory_space<vmem>>, %arg12: memref<30x30xf32, #tpu.memory_space<vmem>>, %arg13: memref<30x30xf32, #tpu.memory_space<vmem>>, %arg14: memref<30x30xf32, #tpu.memory_space<vmem>>, %arg15: memref<30x30xf32, #tpu.memory_space<vmem>>, %arg16: memref<30x30xf32, #tpu.memory_space<vmem>>, %arg17: memref<30x30xf32, #tpu.memory_space<vmem>>, %arg18: memref<30x1xf32, #tpu.memory_space<vmem>>, %arg19: memref<30x1xf32, #tpu.memory_space<vmem>>, %arg20: memref<30x1xf32, #tpu.memory_space<vmem>>, %arg21: memref<32x30xf32, #tpu.memory_space<vmem>>, %arg22: memref<32x30xf32, #tpu.memory_space<vmem>>, %arg23: memref<16x32xf32, #tpu.memory_space<vmem>>, %arg24: memref<1x16xf32, #tpu.memory_space<vmem>>, %arg25: memref<32x1xf32, #tpu.memory_space<vmem>>, %arg26: memref<16x1xf32, #tpu.memory_space<vmem>>, %arg27: memref<1x1xf32, #tpu.memory_space<vmem>>, %arg28: memref<64x30xf32, #tpu.memory_space<vmem>>, %arg29: memref<64x210xf32, #tpu.memory_space<vmem>>, %arg30: memref<64x30xf32, #tpu.memory_space<vmem>>, %arg31: memref<16x64xf32, #tpu.memory_space<vmem>>, %arg32: memref<1x16xf32, #tpu.memory_space<vmem>>, %arg33: memref<64x1xf32, #tpu.memory_space<vmem>>, %arg34: memref<16x1xf32, #tpu.memory_space<vmem>>, %arg35: memref<1x1xf32, #tpu.memory_space<vmem>>, %arg36: memref<64x1xf32, #tpu.memory_space<vmem>>, %arg37: memref<16x1xf32, #tpu.memory_space<vmem>>, %arg38: memref<1x1xf32, #tpu.memory_space<vmem>>, %arg39: memref<30x30xf32, #tpu.memory_space<vmem>>, %arg40: memref<30x30xf32, #tpu.memory_space<vmem>>, %arg41: memref<30x30xf32, #tpu.memory_space<vmem>>, %arg42: memref<30x30xf32, #tpu.memory_space<vmem>>, %arg43: memref<30x30xf32, #tpu.memory_space<vmem>>, %arg44: memref<30x30xf32, #tpu.memory_space<vmem>>, %arg45: memref<30x1xf32, #tpu.memory_space<vmem>>, %arg46: memref<30x1xf32, #tpu.memory_space<vmem>>, %arg47: memref<30x1xf32, #tpu.memory_space<vmem>>, %arg48: memref<1x256xf32, #tpu.memory_space<vmem>>, %arg49: memref<1x1xf32, #tpu.memory_space<vmem>>, %arg50: memref<200x30x256xf32, #tpu.memory_space<vmem>>, %arg51: memref<200x256xf32, #tpu.memory_space<vmem>>, %arg52: memref<2xf32, #tpu.memory_space<smem>>) attributes {dimension_semantics = [#tpu.dimension_semantics<arbitrary>], iteration_bounds = array<i64: 4>, scalar_prefetch = 0 : i64, scratch_operands = 3 : i64, tpu.core_type = #tpu.core_type<tc>, window_params = [{transform_indices = @transform_0, window_bounds = array<i64: 200, 30, 256>}, {transform_indices = @transform_1, window_bounds = array<i64: 200, 30, 256>}, {transform_indices = @transform_2, window_bounds = array<i64: 30, 256>}, {transform_indices = @transform_3, window_bounds = array<i64: 210, 256>}, {transform_indices = @transform_4, window_bounds = array<i64: 1, 256>}, {pipeline_mode = #tpu.pipeline_mode<synchronous>, transform_indices = @transform_5, window_bounds = array<i64: 40, 30>}, {pipeline_mode = #tpu.pipeline_mode<synchronous>, transform_indices = @transform_6, window_bounds = array<i64: 40, 30>}, {pipeline_mode = #tpu.pipeline_mode<synchronous>, transform_indices = @transform_7, window_bounds = array<i64: 40, 30>}, {pipeline_mode = #tpu.pipeline_mode<synchronous>, transform_indices = @transform_8, window_bounds = array<i64: 1, 40>}, {pipeline_mode = #tpu.pipeline_mode<synchronous>, transform_indices = @transform_9, window_bounds = array<i64: 40, 1>}, {pipeline_mode = #tpu.pipeline_mode<synchronous>, transform_indices = @transform_10, window_bounds = array<i64: 1, 1>}, {pipeline_mode = #tpu.pipeline_mode<synchronous>, transform_indices = @transform_11, window_bounds = array<i64: 30, 30>}, {pipeline_mode = #tpu.pipeline_mode<synchronous>, transform_indices = @transform_12, window_bounds = array<i64: 30, 30>}, {pipeline_mode = #tpu.pipeline_mode<synchronous>, transform_indices = @transform_13, window_bounds = array<i64: 30, 30>}, {pipeline_mode = #tpu.pipeline_mode<synchronous>, transform_indices = @transform_14, window_bounds = array<i64: 30, 30>}, {pipeline_mode = #tpu.pipeline_mode<synchronous>, transform_indices = @transform_15, window_bounds = array<i64: 30, 30>}, {pipeline_mode = #tpu.pipeline_mode<synchronous>, transform_indices = @transform_16, window_bounds = array<i64: 30, 30>}, {pipeline_mode = #tpu.pipeline_mode<synchronous>, transform_indices = @transform_17, window_bounds = array<i64: 30, 1>}, {pipeline_mode = #tpu.pipeline_mode<synchronous>, transform_indices = @transform_18, window_bounds = array<i64: 30, 1>}, {pipeline_mode = #tpu.pipeline_mode<synchronous>, transform_indices = @transform_19, window_bounds = array<i64: 30, 1>}, {pipeline_mode = #tpu.pipeline_mode<synchronous>, transform_indices = @transform_20, window_bounds = array<i64: 32, 30>}, {pipeline_mode = #tpu.pipeline_mode<synchronous>, transform_indices = @transform_21, window_bounds = array<i64: 32, 30>}, {pipeline_mode = #tpu.pipeline_mode<synchronous>, transform_indices = @transform_22, window_bounds = array<i64: 16, 32>}, {pipeline_mode = #tpu.pipeline_mode<synchronous>, transform_indices = @transform_23, window_bounds = array<i64: 1, 16>}, {pipeline_mode = #tpu.pipeline_mode<synchronous>, transform_indices = @transform_24, window_bounds = array<i64: 32, 1>}, {pipeline_mode = #tpu.pipeline_mode<synchronous>, transform_indices = @transform_25, window_bounds = array<i64: 16, 1>}, {pipeline_mode = #tpu.pipeline_mode<synchronous>, transform_indices = @transform_26, window_bounds = array<i64: 1, 1>}, {pipeline_mode = #tpu.pipeline_mode<synchronous>, transform_indices = @transform_27, window_bounds = array<i64: 64, 30>}, {pipeline_mode = #tpu.pipeline_mode<synchronous>, transform_indices = @transform_28, window_bounds = array<i64: 64, 210>}, {pipeline_mode = #tpu.pipeline_mode<synchronous>, transform_indices = @transform_29, window_bounds = array<i64: 64, 30>}, {pipeline_mode = #tpu.pipeline_mode<synchronous>, transform_indices = @transform_30, window_bounds = array<i64: 16, 64>}, {pipeline_mode = #tpu.pipeline_mode<synchronous>, transform_indices = @transform_31, window_bounds = array<i64: 1, 16>}, {pipeline_mode = #tpu.pipeline_mode<synchronous>, transform_indices = @transform_32, window_bounds = array<i64: 64, 1>}, {pipeline_mode = #tpu.pipeline_mode<synchronous>, transform_indices = @transform_33, window_bounds = array<i64: 16, 1>}, {pipeline_mode = #tpu.pipeline_mode<synchronous>, transform_indices = @transform_34, window_bounds = array<i64: 1, 1>}, {pipeline_mode = #tpu.pipeline_mode<synchronous>, transform_indices = @transform_35, window_bounds = array<i64: 64, 1>}, {pipeline_mode = #tpu.pipeline_mode<synchronous>, transform_indices = @transform_36, window_bounds = array<i64: 16, 1>}, {pipeline_mode = #tpu.pipeline_mode<synchronous>, transform_indices = @transform_37, window_bounds = array<i64: 1, 1>}, {pipeline_mode = #tpu.pipeline_mode<synchronous>, transform_indices = @transform_38, window_bounds = array<i64: 30, 30>}, {pipeline_mode = #tpu.pipeline_mode<synchronous>, transform_indices = @transform_39, window_bounds = array<i64: 30, 30>}, {pipeline_mode = #tpu.pipeline_mode<synchronous>, transform_indices = @transform_40, window_bounds = array<i64: 30, 30>}, {pipeline_mode = #tpu.pipeline_mode<synchronous>, transform_indices = @transform_41, window_bounds = array<i64: 30, 30>}, {pipeline_mode = #tpu.pipeline_mode<synchronous>, transform_indices = @transform_42, window_bounds = array<i64: 30, 30>}, {pipeline_mode = #tpu.pipeline_mode<synchronous>, transform_indices = @transform_43, window_bounds = array<i64: 30, 30>}, {pipeline_mode = #tpu.pipeline_mode<synchronous>, transform_indices = @transform_44, window_bounds = array<i64: 30, 1>}, {pipeline_mode = #tpu.pipeline_mode<synchronous>, transform_indices = @transform_45, window_bounds = array<i64: 30, 1>}, {pipeline_mode = #tpu.pipeline_mode<synchronous>, transform_indices = @transform_46, window_bounds = array<i64: 30, 1>}, {transform_indices = @transform_47, window_bounds = array<i64: 1, 256>}, {pipeline_mode = #tpu.pipeline_mode<synchronous>, transform_indices = @transform_48, window_bounds = array<i64: 1, 1>}]} {
    %get3A = arith.constant 0 : index
    %get3A_0 = arith.constant 0 : index
    %get3A_1 = vector.load %arg6[%get3A, %get3A_0] : memref<40x30xf32, #tpu.memory_space<vmem>>, vector<40x30xf32>
    %get3A_2 = arith.constant 0 : index
    %get3A_3 = arith.constant 0 : index
    %get3A_4 = vector.load %arg7[%get3A_2, %get3A_3] : memref<40x30xf32, #tpu.memory_space<vmem>>, vector<40x30xf32>
    %get3A_5 = arith.constant 0 : index
    %get3A_6 = arith.constant 0 : index
    %get3A_7 = vector.load %arg8[%get3A_5, %get3A_6] : memref<40x30xf32, #tpu.memory_space<vmem>>, vector<40x30xf32>
    %get3A_8 = arith.constant 0 : index
    %get3A_9 = arith.constant 0 : index
    %get3A_10 = vector.load %arg9[%get3A_8, %get3A_9] : memref<1x40xf32, #tpu.memory_space<vmem>>, vector<1x40xf32>
    %get3A_11 = arith.constant 0 : index
    %get3A_12 = arith.constant 0 : index
    %get3A_13 = vector.load %arg10[%get3A_11, %get3A_12] : memref<40x1xf32, #tpu.memory_space<vmem>>, vector<40x1xf32>
    %get3A_14 = arith.constant 0 : index
    %get3A_15 = arith.constant 0 : index
    %get3A_16 = vector.load %arg11[%get3A_14, %get3A_15] : memref<1x1xf32, #tpu.memory_space<vmem>>, vector<1x1xf32>
    %get3A_17 = arith.constant 0 : index
    %get3A_18 = arith.constant 0 : index
    %get3A_19 = vector.load %arg12[%get3A_17, %get3A_18] : memref<30x30xf32, #tpu.memory_space<vmem>>, vector<30x30xf32>
    %get3A_20 = arith.constant 0 : index
    %get3A_21 = arith.constant 0 : index
    %get3A_22 = vector.load %arg13[%get3A_20, %get3A_21] : memref<30x30xf32, #tpu.memory_space<vmem>>, vector<30x30xf32>
    %get3A_23 = arith.constant 0 : index
    %get3A_24 = arith.constant 0 : index
    %get3A_25 = vector.load %arg14[%get3A_23, %get3A_24] : memref<30x30xf32, #tpu.memory_space<vmem>>, vector<30x30xf32>
    %get3A_26 = arith.constant 0 : index
    %get3A_27 = arith.constant 0 : index
    %get3A_28 = vector.load %arg15[%get3A_26, %get3A_27] : memref<30x30xf32, #tpu.memory_space<vmem>>, vector<30x30xf32>
    %get3A_29 = arith.constant 0 : index
    %get3A_30 = arith.constant 0 : index
    %get3A_31 = vector.load %arg16[%get3A_29, %get3A_30] : memref<30x30xf32, #tpu.memory_space<vmem>>, vector<30x30xf32>
    %get3A_32 = arith.constant 0 : index
    %get3A_33 = arith.constant 0 : index
    %get3A_34 = vector.load %arg17[%get3A_32, %get3A_33] : memref<30x30xf32, #tpu.memory_space<vmem>>, vector<30x30xf32>
    %get3A_35 = arith.constant 0 : index
    %get3A_36 = arith.constant 0 : index
    %get3A_37 = vector.load %arg18[%get3A_35, %get3A_36] : memref<30x1xf32, #tpu.memory_space<vmem>>, vector<30x1xf32>
    %get3A_38 = arith.constant 0 : index
    %get3A_39 = arith.constant 0 : index
    %get3A_40 = vector.load %arg19[%get3A_38, %get3A_39] : memref<30x1xf32, #tpu.memory_space<vmem>>, vector<30x1xf32>
    %get3A_41 = arith.constant 0 : index
    %get3A_42 = arith.constant 0 : index
    %get3A_43 = vector.load %arg20[%get3A_41, %get3A_42] : memref<30x1xf32, #tpu.memory_space<vmem>>, vector<30x1xf32>
    %get3A_44 = arith.constant 0 : index
    %get3A_45 = arith.constant 0 : index
    %get3A_46 = vector.load %arg21[%get3A_44, %get3A_45] : memref<32x30xf32, #tpu.memory_space<vmem>>, vector<32x30xf32>
    %get3A_47 = arith.constant 0 : index
    %get3A_48 = arith.constant 0 : index
    %get3A_49 = vector.load %arg22[%get3A_47, %get3A_48] : memref<32x30xf32, #tpu.memory_space<vmem>>, vector<32x30xf32>
    %get3A_50 = arith.constant 0 : index
    %get3A_51 = arith.constant 0 : index
    %get3A_52 = vector.load %arg23[%get3A_50, %get3A_51] : memref<16x32xf32, #tpu.memory_space<vmem>>, vector<16x32xf32>
    %get3A_53 = arith.constant 0 : index
    %get3A_54 = arith.constant 0 : index
    %get3A_55 = vector.load %arg24[%get3A_53, %get3A_54] : memref<1x16xf32, #tpu.memory_space<vmem>>, vector<1x16xf32>
    %get3A_56 = arith.constant 0 : index
    %get3A_57 = arith.constant 0 : index
    %get3A_58 = vector.load %arg25[%get3A_56, %get3A_57] : memref<32x1xf32, #tpu.memory_space<vmem>>, vector<32x1xf32>
    %get3A_59 = arith.constant 0 : index
    %get3A_60 = arith.constant 0 : index
    %get3A_61 = vector.load %arg26[%get3A_59, %get3A_60] : memref<16x1xf32, #tpu.memory_space<vmem>>, vector<16x1xf32>
    %get3A_62 = arith.constant 0 : index
    %get3A_63 = arith.constant 0 : index
    %get3A_64 = vector.load %arg27[%get3A_62, %get3A_63] : memref<1x1xf32, #tpu.memory_space<vmem>>, vector<1x1xf32>
    %get3A_65 = arith.constant 0 : index
    %get3A_66 = arith.constant 0 : index
    %get3A_67 = vector.load %arg28[%get3A_65, %get3A_66] : memref<64x30xf32, #tpu.memory_space<vmem>>, vector<64x30xf32>
    %get3A_68 = arith.constant 0 : index
    %get3A_69 = arith.constant 0 : index
    %get3A_70 = vector.load %arg29[%get3A_68, %get3A_69] : memref<64x210xf32, #tpu.memory_space<vmem>>, vector<64x210xf32>
    %get3A_71 = arith.constant 0 : index
    %get3A_72 = arith.constant 0 : index
    %get3A_73 = vector.load %arg30[%get3A_71, %get3A_72] : memref<64x30xf32, #tpu.memory_space<vmem>>, vector<64x30xf32>
    %get3A_74 = arith.constant 0 : index
    %get3A_75 = arith.constant 0 : index
    %get3A_76 = vector.load %arg31[%get3A_74, %get3A_75] : memref<16x64xf32, #tpu.memory_space<vmem>>, vector<16x64xf32>
    %get3A_77 = arith.constant 0 : index
    %get3A_78 = arith.constant 0 : index
    %get3A_79 = vector.load %arg32[%get3A_77, %get3A_78] : memref<1x16xf32, #tpu.memory_space<vmem>>, vector<1x16xf32>
    %get3A_80 = arith.constant 0 : index
    %get3A_81 = arith.constant 0 : index
    %get3A_82 = vector.load %arg33[%get3A_80, %get3A_81] : memref<64x1xf32, #tpu.memory_space<vmem>>, vector<64x1xf32>
    %get3A_83 = arith.constant 0 : index
    %get3A_84 = arith.constant 0 : index
    %get3A_85 = vector.load %arg34[%get3A_83, %get3A_84] : memref<16x1xf32, #tpu.memory_space<vmem>>, vector<16x1xf32>
    %get3A_86 = arith.constant 0 : index
    %get3A_87 = arith.constant 0 : index
    %get3A_88 = vector.load %arg35[%get3A_86, %get3A_87] : memref<1x1xf32, #tpu.memory_space<vmem>>, vector<1x1xf32>
    %get3A_89 = arith.constant 0 : index
    %get3A_90 = arith.constant 0 : index
    %get3A_91 = vector.load %arg36[%get3A_89, %get3A_90] : memref<64x1xf32, #tpu.memory_space<vmem>>, vector<64x1xf32>
    %get3A_92 = arith.constant 0 : index
    %get3A_93 = arith.constant 0 : index
    %get3A_94 = vector.load %arg37[%get3A_92, %get3A_93] : memref<16x1xf32, #tpu.memory_space<vmem>>, vector<16x1xf32>
    %get3A_95 = arith.constant 0 : index
    %get3A_96 = arith.constant 0 : index
    %get3A_97 = vector.load %arg38[%get3A_95, %get3A_96] : memref<1x1xf32, #tpu.memory_space<vmem>>, vector<1x1xf32>
    %get3A_98 = arith.constant 0 : index
    %get3A_99 = arith.constant 0 : index
    %get3A_100 = vector.load %arg39[%get3A_98, %get3A_99] : memref<30x30xf32, #tpu.memory_space<vmem>>, vector<30x30xf32>
    %get3A_101 = arith.constant 0 : index
    %get3A_102 = arith.constant 0 : index
    %get3A_103 = vector.load %arg40[%get3A_101, %get3A_102] : memref<30x30xf32, #tpu.memory_space<vmem>>, vector<30x30xf32>
    %get3A_104 = arith.constant 0 : index
    %get3A_105 = arith.constant 0 : index
    %get3A_106 = vector.load %arg41[%get3A_104, %get3A_105] : memref<30x30xf32, #tpu.memory_space<vmem>>, vector<30x30xf32>
    %get3A_107 = arith.constant 0 : index
    %get3A_108 = arith.constant 0 : index
    %get3A_109 = vector.load %arg42[%get3A_107, %get3A_108] : memref<30x30xf32, #tpu.memory_space<vmem>>, vector<30x30xf32>
    %get3A_110 = arith.constant 0 : index
    %get3A_111 = arith.constant 0 : index
    %get3A_112 = vector.load %arg43[%get3A_110, %get3A_111] : memref<30x30xf32, #tpu.memory_space<vmem>>, vector<30x30xf32>
    %get3A_113 = arith.constant 0 : index
    %get3A_114 = arith.constant 0 : index
    %get3A_115 = vector.load %arg44[%get3A_113, %get3A_114] : memref<30x30xf32, #tpu.memory_space<vmem>>, vector<30x30xf32>
    %get3A_116 = arith.constant 0 : index
    %get3A_117 = arith.constant 0 : index
    %get3A_118 = vector.load %arg45[%get3A_116, %get3A_117] : memref<30x1xf32, #tpu.memory_space<vmem>>, vector<30x1xf32>
    %get3A_119 = arith.constant 0 : index
    %get3A_120 = arith.constant 0 : index
    %get3A_121 = vector.load %arg46[%get3A_119, %get3A_120] : memref<30x1xf32, #tpu.memory_space<vmem>>, vector<30x1xf32>
    %get3A_122 = arith.constant 0 : index
    %get3A_123 = arith.constant 0 : index
    %get3A_124 = vector.load %arg47[%get3A_122, %get3A_123] : memref<30x1xf32, #tpu.memory_space<vmem>>, vector<30x1xf32>
    %get3A_125 = arith.constant 0 : index
    %get3A_126 = arith.constant 0 : index
    %get3A_127 = vector.load %arg5[%get3A_125, %get3A_126] : memref<1x256xi32, #tpu.memory_space<vmem>>, vector<1x256xi32>
    %get3A_128 = arith.constant 0 : index
    %get3A_129 = arith.constant 0 : index
    %get3A_130 = vector.load %arg3[%get3A_128, %get3A_129] : memref<30x256xf32, #tpu.memory_space<vmem>>, vector<30x256xf32>
    %broadcast_in_dim3A = arith.constant 0.000000e+00 : f32
    %broadcast_in_dim3A_131 = vector.broadcast %broadcast_in_dim3A : f32 to vector<30x256xf32>
    %scan3A = arith.constant 0 : i32
    %scan3A_132 = arith.constant 200 : i32
    %scan3A_133 = arith.addi %scan3A, %scan3A_132 : i32
    %scan3A_134 = arith.constant 1 : i32
    %scan3A_135 = scf.for %scan3A_250 = %scan3A to %scan3A_133 step %scan3A_134 iter_args(%scan3A_251 = %broadcast_in_dim3A_131) -> (vector<30x256xf32>)  : i32 {
      %get3A_252 = arith.index_cast %scan3A_250 : i32 to index
      %get3A_253 = arith.constant 0 : index
      %get3A_254 = arith.constant 0 : index
      %get3A_255 = vector.load %arg1[%get3A_252, %get3A_253, %get3A_254] : memref<200x30x256xf32, #tpu.memory_space<vmem>>, vector<1x30x256xf32>
      %get3A_256 = vector.shape_cast %get3A_255 : vector<1x30x256xf32> to vector<30x256xf32>
      %dot_general3A_257 = arith.constant dense<0.000000e+00> : vector<30x256xf32>
      %dot_general3A_258 = tpu.matmul %get3A_112, %get3A_256, %dot_general3A_257 {dimension_numbers = #tpu.dot_dimension_numbers<[1], [0], [0], [1], [0, 0, 1, 1], [], []>, transpose_lhs_hint = false} : vector<30x30xf32>, vector<30x256xf32>, vector<30x256xf32> -> vector<30x256xf32>
      %add3A_259 = vector.broadcast %get3A_121 : vector<30x1xf32> to vector<30x256xf32>
      %add3A_260 = arith.addf %dot_general3A_258, %add3A_259 : vector<30x256xf32>
      %dot_general3A_261 = arith.constant dense<0.000000e+00> : vector<30x256xf32>
      %dot_general3A_262 = tpu.matmul %get3A_103, %scan3A_251, %dot_general3A_261 {dimension_numbers = #tpu.dot_dimension_numbers<[1], [0], [0], [1], [0, 0, 1, 1], [], []>, transpose_lhs_hint = false} : vector<30x30xf32>, vector<30x256xf32>, vector<30x256xf32> -> vector<30x256xf32>
      %add3A_263 = arith.addf %add3A_260, %dot_general3A_262 : vector<30x256xf32>
      %logistic3A_264 = arith.negf %add3A_263 : vector<30x256xf32>
      %logistic3A_265 = math.exp %logistic3A_264 : vector<30x256xf32>
      %logistic3A_266 = arith.constant 1.000000e+00 : f32
      %logistic3A_267 = vector.broadcast %logistic3A_266 : f32 to vector<30x256xf32>
      %logistic3A_268 = arith.addf %logistic3A_267, %logistic3A_265 : vector<30x256xf32>
      %logistic3A_269 = arith.divf %logistic3A_267, %logistic3A_268 : vector<30x256xf32>
      %dot_general3A_270 = arith.constant dense<0.000000e+00> : vector<30x256xf32>
      %dot_general3A_271 = tpu.matmul %get3A_115, %get3A_256, %dot_general3A_270 {dimension_numbers = #tpu.dot_dimension_numbers<[1], [0], [0], [1], [0, 0, 1, 1], [], []>, transpose_lhs_hint = false} : vector<30x30xf32>, vector<30x256xf32>, vector<30x256xf32> -> vector<30x256xf32>
      %add3A_272 = vector.broadcast %get3A_124 : vector<30x1xf32> to vector<30x256xf32>
      %add3A_273 = arith.addf %dot_general3A_271, %add3A_272 : vector<30x256xf32>
      %dot_general3A_274 = arith.constant dense<0.000000e+00> : vector<30x256xf32>
      %dot_general3A_275 = tpu.matmul %get3A_106, %scan3A_251, %dot_general3A_274 {dimension_numbers = #tpu.dot_dimension_numbers<[1], [0], [0], [1], [0, 0, 1, 1], [], []>, transpose_lhs_hint = false} : vector<30x30xf32>, vector<30x256xf32>, vector<30x256xf32> -> vector<30x256xf32>
      %add3A_276 = arith.addf %add3A_273, %dot_general3A_275 : vector<30x256xf32>
      %logistic3A_277 = arith.negf %add3A_276 : vector<30x256xf32>
      %logistic3A_278 = math.exp %logistic3A_277 : vector<30x256xf32>
      %logistic3A_279 = arith.constant 1.000000e+00 : f32
      %logistic3A_280 = vector.broadcast %logistic3A_279 : f32 to vector<30x256xf32>
      %logistic3A_281 = arith.addf %logistic3A_280, %logistic3A_278 : vector<30x256xf32>
      %logistic3A_282 = arith.divf %logistic3A_280, %logistic3A_281 : vector<30x256xf32>
      %dot_general3A_283 = arith.constant dense<0.000000e+00> : vector<30x256xf32>
      %dot_general3A_284 = tpu.matmul %get3A_109, %get3A_256, %dot_general3A_283 {dimension_numbers = #tpu.dot_dimension_numbers<[1], [0], [0], [1], [0, 0, 1, 1], [], []>, transpose_lhs_hint = false} : vector<30x30xf32>, vector<30x256xf32>, vector<30x256xf32> -> vector<30x256xf32>
      %add3A_285 = vector.broadcast %get3A_118 : vector<30x1xf32> to vector<30x256xf32>
      %add3A_286 = arith.addf %dot_general3A_284, %add3A_285 : vector<30x256xf32>
      %dot_general3A_287 = arith.constant dense<0.000000e+00> : vector<30x256xf32>
      %dot_general3A_288 = tpu.matmul %get3A_100, %scan3A_251, %dot_general3A_287 {dimension_numbers = #tpu.dot_dimension_numbers<[1], [0], [0], [1], [0, 0, 1, 1], [], []>, transpose_lhs_hint = false} : vector<30x30xf32>, vector<30x256xf32>, vector<30x256xf32> -> vector<30x256xf32>
      %mul3A_289 = arith.mulf %logistic3A_269, %dot_general3A_288 : vector<30x256xf32>
      %add3A_290 = arith.addf %add3A_286, %mul3A_289 : vector<30x256xf32>
      %tanh3A = math.tanh %add3A_290 : vector<30x256xf32>
      %sub3A_291 = arith.constant 1.000000e+00 : f32
      %sub3A_292 = vector.broadcast %sub3A_291 : f32 to vector<30x256xf32>
      %sub3A_293 = arith.subf %sub3A_292, %logistic3A_282 : vector<30x256xf32>
      %mul3A_294 = arith.mulf %sub3A_293, %tanh3A : vector<30x256xf32>
      %mul3A_295 = arith.mulf %logistic3A_282, %scan3A_251 : vector<30x256xf32>
      %add3A_296 = arith.addf %mul3A_294, %mul3A_295 : vector<30x256xf32>
      %lt3A = vector.broadcast %scan3A_250 : i32 to vector<1x256xi32>
      %lt3A_297 = arith.cmpi slt, %lt3A, %get3A_127 : vector<1x256xi32>
      %broadcast_in_dim3A_298 = vector.shape_cast %lt3A_297 : vector<1x256xi1> to vector<1x256xi1>
      %broadcast_in_dim3A_299 = vector.broadcast %broadcast_in_dim3A_298 : vector<1x256xi1> to vector<30x256xi1>
      %select_n3A = arith.select %broadcast_in_dim3A_299, %add3A_296, %scan3A_251 : vector<30x256xi1>, vector<30x256xf32>
      %swap3A_300 = arith.index_cast %scan3A_250 : i32 to index
      %swap3A_301 = arith.constant 0 : index
      %swap3A_302 = arith.constant 0 : index
      %swap3A_303 = vector.load %arg50[%swap3A_300, %swap3A_301, %swap3A_302] : memref<200x30x256xf32, #tpu.memory_space<vmem>>, vector<1x30x256xf32>
      %swap3A_304 = vector.shape_cast %swap3A_303 : vector<1x30x256xf32> to vector<30x256xf32>
      %swap3A_305 = vector.shape_cast %select_n3A : vector<30x256xf32> to vector<1x30x256xf32>
      tpu.vector_store %arg50[%swap3A_300, %swap3A_301, %swap3A_302], %swap3A_305 {strides = array<i32>} : memref<200x30x256xf32, #tpu.memory_space<vmem>>, vector<1x30x256xf32>,
      scf.yield %select_n3A : vector<30x256xf32>
    }
    %scan3A_136 = arith.constant 200 : i32
    %scan3A_137 = arith.constant 0.000000e+00 : f32
    %scan3A_138 = arith.constant 0.000000e+00 : f32
    %scan3A_139 = arith.constant 0 : i32
    %scan3A_140 = arith.constant 199 : i32
    %scan3A_141 = arith.addi %scan3A_139, %scan3A_140 : i32
    %scan3A_142 = arith.constant 1 : i32
    %scan3A_143:2 = scf.for %scan3A_250 = %scan3A_139 to %scan3A_141 step %scan3A_142 iter_args(%scan3A_251 = %scan3A_137, %scan3A_252 = %scan3A_138) -> (f32, f32)  : i32 {
      %get3A_253 = arith.index_cast %scan3A_250 : i32 to index
      %get3A_254 = arith.constant 0 : index
      %get3A_255 = arith.constant 0 : index
      %get3A_256 = vector.load %arg50[%get3A_253, %get3A_254, %get3A_255] : memref<200x30x256xf32, #tpu.memory_space<vmem>>, vector<1x30x256xf32>
      %get3A_257 = vector.shape_cast %get3A_256 : vector<1x30x256xf32> to vector<30x256xf32>
      %dot_general3A_258 = arith.constant dense<0.000000e+00> : vector<32x256xf32>
      %dot_general3A_259 = tpu.matmul %get3A_49, %get3A_257, %dot_general3A_258 {dimension_numbers = #tpu.dot_dimension_numbers<[1], [0], [0], [1], [0, 0, 1, 1], [], []>, transpose_lhs_hint = false} : vector<32x30xf32>, vector<30x256xf32>, vector<32x256xf32> -> vector<32x256xf32>
      %add3A_260 = arith.constant 1 : i32
      %add3A_261 = arith.addi %scan3A_250, %add3A_260 : i32
      %get3A_262 = arith.index_cast %add3A_261 : i32 to index
      %get3A_263 = arith.constant 0 : index
      %get3A_264 = arith.constant 0 : index
      %get3A_265 = vector.load %arg1[%get3A_262, %get3A_263, %get3A_264] : memref<200x30x256xf32, #tpu.memory_space<vmem>>, vector<1x30x256xf32>
      %get3A_266 = vector.shape_cast %get3A_265 : vector<1x30x256xf32> to vector<30x256xf32>
      %add3A_267 = arith.constant 1 : i32
      %add3A_268 = arith.addi %scan3A_250, %add3A_267 : i32
      %get3A_269 = arith.index_cast %add3A_268 : i32 to index
      %get3A_270 = arith.constant 0 : index
      %get3A_271 = arith.constant 0 : index
      %get3A_272 = vector.load %arg2[%get3A_269, %get3A_270, %get3A_271] : memref<200x30x256xf32, #tpu.memory_space<vmem>>, vector<1x30x256xf32>
      %get3A_273 = vector.shape_cast %get3A_272 : vector<1x30x256xf32> to vector<30x256xf32>
      %concatenate3A = tpu.concatenate %get3A_266, %get3A_273 in 1 : vector<30x256xf32>, vector<30x256xf32> -> vector<30x512xf32>
      %concatenate3A_274 = tpu.concatenate %dot_general3A_259, %dot_general3A_259 in 1 : vector<32x256xf32>, vector<32x256xf32> -> vector<32x512xf32>
      %dot_general3A_275 = arith.constant dense<0.000000e+00> : vector<32x512xf32>
      %dot_general3A_276 = tpu.matmul %get3A_46, %concatenate3A, %dot_general3A_275 {dimension_numbers = #tpu.dot_dimension_numbers<[1], [0], [0], [1], [0, 0, 1, 1], [], []>, transpose_lhs_hint = false} : vector<32x30xf32>, vector<30x512xf32>, vector<32x512xf32> -> vector<32x512xf32>
      %add3A_277 = arith.addf %concatenate3A_274, %dot_general3A_276 : vector<32x512xf32>
      %add3A_278 = vector.broadcast %get3A_58 : vector<32x1xf32> to vector<32x512xf32>
      %add3A_279 = arith.addf %add3A_277, %add3A_278 : vector<32x512xf32>
      %logistic3A_280 = arith.negf %add3A_279 : vector<32x512xf32>
      %logistic3A_281 = math.exp %logistic3A_280 : vector<32x512xf32>
      %logistic3A_282 = arith.constant 1.000000e+00 : f32
      %logistic3A_283 = vector.broadcast %logistic3A_282 : f32 to vector<32x512xf32>
      %logistic3A_284 = arith.addf %logistic3A_283, %logistic3A_281 : vector<32x512xf32>
      %logistic3A_285 = arith.divf %logistic3A_283, %logistic3A_284 : vector<32x512xf32>
      %dot_general3A_286 = arith.constant dense<0.000000e+00> : vector<16x512xf32>
      %dot_general3A_287 = tpu.matmul %get3A_52, %logistic3A_285, %dot_general3A_286 {dimension_numbers = #tpu.dot_dimension_numbers<[1], [0], [0], [1], [0, 0, 1, 1], [], []>, transpose_lhs_hint = false} : vector<16x32xf32>, vector<32x512xf32>, vector<16x512xf32> -> vector<16x512xf32>
      %add3A_288 = vector.broadcast %get3A_61 : vector<16x1xf32> to vector<16x512xf32>
      %add3A_289 = arith.addf %dot_general3A_287, %add3A_288 : vector<16x512xf32>
      %logistic3A_290 = arith.negf %add3A_289 : vector<16x512xf32>
      %logistic3A_291 = math.exp %logistic3A_290 : vector<16x512xf32>
      %logistic3A_292 = arith.constant 1.000000e+00 : f32
      %logistic3A_293 = vector.broadcast %logistic3A_292 : f32 to vector<16x512xf32>
      %logistic3A_294 = arith.addf %logistic3A_293, %logistic3A_291 : vector<16x512xf32>
      %logistic3A_295 = arith.divf %logistic3A_293, %logistic3A_294 : vector<16x512xf32>
      %dot_general3A_296 = arith.constant dense<0.000000e+00> : vector<1x512xf32>
      %dot_general3A_297 = tpu.matmul %get3A_55, %logistic3A_295, %dot_general3A_296 {dimension_numbers = #tpu.dot_dimension_numbers<[1], [0], [0], [1], [0, 0, 1, 1], [], []>, transpose_lhs_hint = false} : vector<1x16xf32>, vector<16x512xf32>, vector<1x512xf32> -> vector<1x512xf32>
      %add3A_298 = vector.broadcast %get3A_64 : vector<1x1xf32> to vector<1x512xf32>
      %add3A_299 = arith.addf %dot_general3A_297, %add3A_298 : vector<1x512xf32>
      %logistic3A_300 = arith.negf %add3A_299 : vector<1x512xf32>
      %logistic3A_301 = math.exp %logistic3A_300 : vector<1x512xf32>
      %logistic3A_302 = arith.constant 1.000000e+00 : f32
      %logistic3A_303 = vector.broadcast %logistic3A_302 : f32 to vector<1x512xf32>
      %logistic3A_304 = arith.addf %logistic3A_303, %logistic3A_301 : vector<1x512xf32>
      %logistic3A_305 = arith.divf %logistic3A_303, %logistic3A_304 : vector<1x512xf32>
      %slice3A = vector.extract_strided_slice %logistic3A_305 {offsets = [0, 0], sizes = [1, 256], strides = [1, 1]} : vector<1x512xf32> to vector<1x256xf32>
      %slice3A_306 = vector.extract_strided_slice %logistic3A_305 {offsets = [0, 256], sizes = [1, 256], strides = [1, 1]} : vector<1x512xf32> to vector<1x256xf32>
      %sub3A_307 = arith.constant 1 : i32
      %sub3A_308 = vector.broadcast %sub3A_307 : i32 to vector<1x256xi32>
      %sub3A_309 = arith.subi %get3A_127, %sub3A_308 : vector<1x256xi32>
      %lt3A = vector.broadcast %scan3A_250 : i32 to vector<1x256xi32>
      %lt3A_310 = arith.cmpi slt, %lt3A, %sub3A_309 : vector<1x256xi32>
      %convert_element_type3A_311 = arith.extui %lt3A_310 : vector<1x256xi1> to vector<1x256xi32>
      %convert_element_type3A_312 = arith.sitofp %convert_element_type3A_311 : vector<1x256xi32> to vector<1x256xf32>
      %add3A_313 = arith.constant 1.000000e-07 : f32
      %add3A_314 = vector.broadcast %add3A_313 : f32 to vector<1x256xf32>
      %add3A_315 = arith.addf %slice3A, %add3A_314 : vector<1x256xf32>
      %log3A = math.log %add3A_315 : vector<1x256xf32>
      %sub3A_316 = arith.constant 1.000000e+00 : f32
      %sub3A_317 = vector.broadcast %sub3A_316 : f32 to vector<1x256xf32>
      %sub3A_318 = arith.subf %sub3A_317, %slice3A_306 : vector<1x256xf32>
      %add3A_319 = arith.constant 1.000000e-07 : f32
      %add3A_320 = vector.broadcast %add3A_319 : f32 to vector<1x256xf32>
      %add3A_321 = arith.addf %sub3A_318, %add3A_320 : vector<1x256xf32>
      %log3A_322 = math.log %add3A_321 : vector<1x256xf32>
      %add3A_323 = arith.addf %log3A, %log3A_322 : vector<1x256xf32>
      %neg3A = arith.constant 0.000000e+00 : f32
      %neg3A_324 = vector.broadcast %neg3A : f32 to vector<1x256xf32>
      %neg3A_325 = arith.subf %neg3A_324, %add3A_323 : vector<1x256xf32>
      %mul3A_326 = arith.mulf %neg3A_325, %convert_element_type3A_312 : vector<1x256xf32>
      %reduce_sum3A_327 = vector.shape_cast %mul3A_326 : vector<1x256xf32> to vector<1x1x256xf32>
      %reduce_sum3A_328 = arith.constant dense<0.000000e+00> : vector<1xf32>
      %reduce_sum3A_329 = vector.multi_reduction <add>, %reduce_sum3A_327, %reduce_sum3A_328 [1, 2] : vector<1x1x256xf32> to vector<1xf32>
      %reduce_sum3A_330 = vector.shape_cast %reduce_sum3A_329 : vector<1xf32> to vector<1x1x1xf32>
      %reduce_sum3A_331 = vector.extract %reduce_sum3A_330[0, 0, 0] : f32 from vector<1x1x1xf32>
      %add3A_332 = arith.addf %scan3A_251, %reduce_sum3A_331 : f32
      %reduce_sum3A_333 = vector.shape_cast %convert_element_type3A_312 : vector<1x256xf32> to vector<1x1x256xf32>
      %reduce_sum3A_334 = arith.constant dense<0.000000e+00> : vector<1xf32>
      %reduce_sum3A_335 = vector.multi_reduction <add>, %reduce_sum3A_333, %reduce_sum3A_334 [1, 2] : vector<1x1x256xf32> to vector<1xf32>
      %reduce_sum3A_336 = vector.shape_cast %reduce_sum3A_335 : vector<1xf32> to vector<1x1x1xf32>
      %reduce_sum3A_337 = vector.extract %reduce_sum3A_336[0, 0, 0] : f32 from vector<1x1x1xf32>
      %add3A_338 = arith.addf %scan3A_252, %reduce_sum3A_337 : f32
      scf.yield %add3A_332, %add3A_338 : f32, f32
    }
    %scan3A_144 = arith.constant 199 : i32
    %dot_general3A = arith.constant dense<0.000000e+00> : vector<40x256xf32>
    %dot_general3A_145 = tpu.matmul %get3A_7, %get3A_130, %dot_general3A {dimension_numbers = #tpu.dot_dimension_numbers<[1], [0], [0], [1], [0, 0, 1, 1], [], []>, transpose_lhs_hint = false} : vector<40x30xf32>, vector<30x256xf32>, vector<40x256xf32> -> vector<40x256xf32>
    %add3A = vector.broadcast %get3A_13 : vector<40x1xf32> to vector<40x256xf32>
    %add3A_146 = arith.addf %dot_general3A_145, %add3A : vector<40x256xf32>
    %scan3A_147 = arith.constant 0 : i32
    %scan3A_148 = arith.constant 200 : i32
    %scan3A_149 = arith.addi %scan3A_147, %scan3A_148 : i32
    %scan3A_150 = arith.constant 1 : i32
    scf.for %scan3A_250 = %scan3A_147 to %scan3A_149 step %scan3A_150  : i32 {
      %get3A_251 = arith.index_cast %scan3A_250 : i32 to index
      %get3A_252 = arith.constant 0 : index
      %get3A_253 = arith.constant 0 : index
      %get3A_254 = vector.load %arg50[%get3A_251, %get3A_252, %get3A_253] : memref<200x30x256xf32, #tpu.memory_space<vmem>>, vector<1x30x256xf32>
      %get3A_255 = vector.shape_cast %get3A_254 : vector<1x30x256xf32> to vector<30x256xf32>
      %dot_general3A_256 = arith.constant dense<0.000000e+00> : vector<40x256xf32>
      %dot_general3A_257 = tpu.matmul %get3A_1, %get3A_255, %dot_general3A_256 {dimension_numbers = #tpu.dot_dimension_numbers<[1], [0], [0], [1], [0, 0, 1, 1], [], []>, transpose_lhs_hint = false} : vector<40x30xf32>, vector<30x256xf32>, vector<40x256xf32> -> vector<40x256xf32>
      %mul3A_258 = arith.mulf %get3A_255, %get3A_130 : vector<30x256xf32>
      %dot_general3A_259 = arith.constant dense<0.000000e+00> : vector<40x256xf32>
      %dot_general3A_260 = tpu.matmul %get3A_4, %mul3A_258, %dot_general3A_259 {dimension_numbers = #tpu.dot_dimension_numbers<[1], [0], [0], [1], [0, 0, 1, 1], [], []>, transpose_lhs_hint = false} : vector<40x30xf32>, vector<30x256xf32>, vector<40x256xf32> -> vector<40x256xf32>
      %add3A_261 = arith.addf %dot_general3A_257, %dot_general3A_260 : vector<40x256xf32>
      %add3A_262 = arith.addf %add3A_261, %add3A_146 : vector<40x256xf32>
      %logistic3A_263 = arith.negf %add3A_262 : vector<40x256xf32>
      %logistic3A_264 = math.exp %logistic3A_263 : vector<40x256xf32>
      %logistic3A_265 = arith.constant 1.000000e+00 : f32
      %logistic3A_266 = vector.broadcast %logistic3A_265 : f32 to vector<40x256xf32>
      %logistic3A_267 = arith.addf %logistic3A_266, %logistic3A_264 : vector<40x256xf32>
      %logistic3A_268 = arith.divf %logistic3A_266, %logistic3A_267 : vector<40x256xf32>
      %dot_general3A_269 = arith.constant dense<0.000000e+00> : vector<1x256xf32>
      %dot_general3A_270 = tpu.matmul %get3A_10, %logistic3A_268, %dot_general3A_269 {dimension_numbers = #tpu.dot_dimension_numbers<[1], [0], [0], [1], [0, 0, 1, 1], [], []>, transpose_lhs_hint = false} : vector<1x40xf32>, vector<40x256xf32>, vector<1x256xf32> -> vector<1x256xf32>
      %add3A_271 = vector.broadcast %get3A_16 : vector<1x1xf32> to vector<1x256xf32>
      %add3A_272 = arith.addf %dot_general3A_270, %add3A_271 : vector<1x256xf32>
      %lt3A = vector.broadcast %scan3A_250 : i32 to vector<1x256xi32>
      %lt3A_273 = arith.cmpi slt, %lt3A, %get3A_127 : vector<1x256xi32>
      %jit3A = arith.constant -1.000000e+09 : f32
      %broadcast_in_dim3A_274 = vector.broadcast %jit3A : f32 to vector<1x256xf32>
      %select_n3A = arith.select %lt3A_273, %add3A_272, %broadcast_in_dim3A_274 : vector<1x256xi1>, vector<1x256xf32>
      %swap3A_275 = arith.index_cast %scan3A_250 : i32 to index
      %swap3A_276 = arith.constant 0 : index
      %swap3A_277 = vector.load %arg51[%swap3A_275, %swap3A_276] : memref<200x256xf32, #tpu.memory_space<vmem>>, vector<1x256xf32>
      tpu.vector_store %arg51[%swap3A_275, %swap3A_276], %select_n3A {strides = array<i32>} : memref<200x256xf32, #tpu.memory_space<vmem>>, vector<1x256xf32>,
    }
    %scan3A_151 = arith.constant 200 : i32
    %get3A_152 = arith.constant 0 : index
    %get3A_153 = arith.constant 0 : index
    %get3A_154 = vector.load %arg51[%get3A_152, %get3A_153] : memref<200x256xf32, #tpu.memory_space<vmem>>, vector<200x256xf32>
    %reduce_max3A = arith.constant dense<0xFF800000> : vector<256xf32>
    %reduce_max3A_155 = vector.multi_reduction <maximumf>, %get3A_154, %reduce_max3A [0] : vector<200x256xf32> to vector<256xf32>
    %broadcast_in_dim3A_156 = vector.shape_cast %reduce_max3A_155 : vector<256xf32> to vector<1x256xf32>
    %sub3A = vector.broadcast %broadcast_in_dim3A_156 : vector<1x256xf32> to vector<200x256xf32>
    %sub3A_157 = arith.subf %get3A_154, %sub3A : vector<200x256xf32>
    %exp3A = math.exp %sub3A_157 : vector<200x256xf32>
    %reduce_sum3A = arith.constant dense<0.000000e+00> : vector<256xf32>
    %reduce_sum3A_158 = vector.multi_reduction <add>, %exp3A, %reduce_sum3A [0] : vector<200x256xf32> to vector<256xf32>
    %broadcast_in_dim3A_159 = vector.shape_cast %reduce_sum3A_158 : vector<256xf32> to vector<1x256xf32>
    %div3A = vector.broadcast %broadcast_in_dim3A_159 : vector<1x256xf32> to vector<200x256xf32>
    %div3A_160 = arith.divf %exp3A, %div3A : vector<200x256xf32>
    %swap3A = arith.constant 0 : index
    %swap3A_161 = arith.constant 0 : index
    %swap3A_162 = vector.load %arg51[%swap3A, %swap3A_161] : memref<200x256xf32, #tpu.memory_space<vmem>>, vector<200x256xf32>
    tpu.vector_store %arg51[%swap3A, %swap3A_161], %div3A_160 {strides = array<i32>} : memref<200x256xf32, #tpu.memory_space<vmem>>, vector<200x256xf32>,
    %scan3A_163 = arith.constant 0 : i32
    %scan3A_164 = arith.constant 200 : i32
    %scan3A_165 = arith.addi %scan3A_163, %scan3A_164 : i32
    %scan3A_166 = arith.constant 1 : i32
    %scan3A_167 = scf.for %scan3A_250 = %scan3A_163 to %scan3A_165 step %scan3A_166 iter_args(%scan3A_251 = %broadcast_in_dim3A_131) -> (vector<30x256xf32>)  : i32 {
      %get3A_252 = arith.index_cast %scan3A_250 : i32 to index
      %get3A_253 = arith.constant 0 : index
      %get3A_254 = arith.constant 0 : index
      %get3A_255 = vector.load %arg50[%get3A_252, %get3A_253, %get3A_254] : memref<200x30x256xf32, #tpu.memory_space<vmem>>, vector<1x30x256xf32>
      %get3A_256 = vector.shape_cast %get3A_255 : vector<1x30x256xf32> to vector<30x256xf32>
      %get3A_257 = arith.index_cast %scan3A_250 : i32 to index
      %get3A_258 = arith.constant 0 : index
      %get3A_259 = vector.load %arg51[%get3A_257, %get3A_258] : memref<200x256xf32, #tpu.memory_space<vmem>>, vector<1x256xf32>
      %dot_general3A_260 = arith.constant dense<0.000000e+00> : vector<30x256xf32>
      %dot_general3A_261 = tpu.matmul %get3A_31, %get3A_256, %dot_general3A_260 {dimension_numbers = #tpu.dot_dimension_numbers<[1], [0], [0], [1], [0, 0, 1, 1], [], []>, transpose_lhs_hint = false} : vector<30x30xf32>, vector<30x256xf32>, vector<30x256xf32> -> vector<30x256xf32>
      %add3A_262 = vector.broadcast %get3A_40 : vector<30x1xf32> to vector<30x256xf32>
      %add3A_263 = arith.addf %dot_general3A_261, %add3A_262 : vector<30x256xf32>
      %dot_general3A_264 = arith.constant dense<0.000000e+00> : vector<30x256xf32>
      %dot_general3A_265 = tpu.matmul %get3A_22, %scan3A_251, %dot_general3A_264 {dimension_numbers = #tpu.dot_dimension_numbers<[1], [0], [0], [1], [0, 0, 1, 1], [], []>, transpose_lhs_hint = false} : vector<30x30xf32>, vector<30x256xf32>, vector<30x256xf32> -> vector<30x256xf32>
      %add3A_266 = arith.addf %add3A_263, %dot_general3A_265 : vector<30x256xf32>
      %logistic3A_267 = arith.negf %add3A_266 : vector<30x256xf32>
      %logistic3A_268 = math.exp %logistic3A_267 : vector<30x256xf32>
      %logistic3A_269 = arith.constant 1.000000e+00 : f32
      %logistic3A_270 = vector.broadcast %logistic3A_269 : f32 to vector<30x256xf32>
      %logistic3A_271 = arith.addf %logistic3A_270, %logistic3A_268 : vector<30x256xf32>
      %logistic3A_272 = arith.divf %logistic3A_270, %logistic3A_271 : vector<30x256xf32>
      %dot_general3A_273 = arith.constant dense<0.000000e+00> : vector<30x256xf32>
      %dot_general3A_274 = tpu.matmul %get3A_34, %get3A_256, %dot_general3A_273 {dimension_numbers = #tpu.dot_dimension_numbers<[1], [0], [0], [1], [0, 0, 1, 1], [], []>, transpose_lhs_hint = false} : vector<30x30xf32>, vector<30x256xf32>, vector<30x256xf32> -> vector<30x256xf32>
      %add3A_275 = vector.broadcast %get3A_43 : vector<30x1xf32> to vector<30x256xf32>
      %add3A_276 = arith.addf %dot_general3A_274, %add3A_275 : vector<30x256xf32>
      %dot_general3A_277 = arith.constant dense<0.000000e+00> : vector<30x256xf32>
      %dot_general3A_278 = tpu.matmul %get3A_25, %scan3A_251, %dot_general3A_277 {dimension_numbers = #tpu.dot_dimension_numbers<[1], [0], [0], [1], [0, 0, 1, 1], [], []>, transpose_lhs_hint = false} : vector<30x30xf32>, vector<30x256xf32>, vector<30x256xf32> -> vector<30x256xf32>
      %add3A_279 = arith.addf %add3A_276, %dot_general3A_278 : vector<30x256xf32>
      %logistic3A_280 = arith.negf %add3A_279 : vector<30x256xf32>
      %logistic3A_281 = math.exp %logistic3A_280 : vector<30x256xf32>
      %logistic3A_282 = arith.constant 1.000000e+00 : f32
      %logistic3A_283 = vector.broadcast %logistic3A_282 : f32 to vector<30x256xf32>
      %logistic3A_284 = arith.addf %logistic3A_283, %logistic3A_281 : vector<30x256xf32>
      %logistic3A_285 = arith.divf %logistic3A_283, %logistic3A_284 : vector<30x256xf32>
      %mul3A_286 = vector.broadcast %get3A_259 : vector<1x256xf32> to vector<30x256xf32>
      %mul3A_287 = arith.mulf %logistic3A_285, %mul3A_286 : vector<30x256xf32>
      %dot_general3A_288 = arith.constant dense<0.000000e+00> : vector<30x256xf32>
      %dot_general3A_289 = tpu.matmul %get3A_28, %get3A_256, %dot_general3A_288 {dimension_numbers = #tpu.dot_dimension_numbers<[1], [0], [0], [1], [0, 0, 1, 1], [], []>, transpose_lhs_hint = false} : vector<30x30xf32>, vector<30x256xf32>, vector<30x256xf32> -> vector<30x256xf32>
      %add3A_290 = vector.broadcast %get3A_37 : vector<30x1xf32> to vector<30x256xf32>
      %add3A_291 = arith.addf %dot_general3A_289, %add3A_290 : vector<30x256xf32>
      %dot_general3A_292 = arith.constant dense<0.000000e+00> : vector<30x256xf32>
      %dot_general3A_293 = tpu.matmul %get3A_19, %scan3A_251, %dot_general3A_292 {dimension_numbers = #tpu.dot_dimension_numbers<[1], [0], [0], [1], [0, 0, 1, 1], [], []>, transpose_lhs_hint = false} : vector<30x30xf32>, vector<30x256xf32>, vector<30x256xf32> -> vector<30x256xf32>
      %mul3A_294 = arith.mulf %logistic3A_272, %dot_general3A_293 : vector<30x256xf32>
      %add3A_295 = arith.addf %add3A_291, %mul3A_294 : vector<30x256xf32>
      %tanh3A = math.tanh %add3A_295 : vector<30x256xf32>
      %sub3A_296 = arith.constant 1.000000e+00 : f32
      %sub3A_297 = vector.broadcast %sub3A_296 : f32 to vector<30x256xf32>
      %sub3A_298 = arith.subf %sub3A_297, %mul3A_287 : vector<30x256xf32>
      %mul3A_299 = arith.mulf %sub3A_298, %scan3A_251 : vector<30x256xf32>
      %mul3A_300 = arith.mulf %mul3A_287, %tanh3A : vector<30x256xf32>
      %add3A_301 = arith.addf %mul3A_299, %mul3A_300 : vector<30x256xf32>
      %lt3A = vector.broadcast %scan3A_250 : i32 to vector<1x256xi32>
      %lt3A_302 = arith.cmpi slt, %lt3A, %get3A_127 : vector<1x256xi32>
      %broadcast_in_dim3A_303 = vector.shape_cast %lt3A_302 : vector<1x256xi1> to vector<1x256xi1>
      %broadcast_in_dim3A_304 = vector.broadcast %broadcast_in_dim3A_303 : vector<1x256xi1> to vector<30x256xi1>
      %select_n3A = arith.select %broadcast_in_dim3A_304, %add3A_301, %scan3A_251 : vector<30x256xi1>, vector<30x256xf32>
      scf.yield %select_n3A : vector<30x256xf32>
    }
    %scan3A_168 = arith.constant 200 : i32
    %dot_general3A_169 = arith.constant dense<0.000000e+00> : vector<64x256xf32>
    %dot_general3A_170 = tpu.matmul %get3A_73, %get3A_130, %dot_general3A_169 {dimension_numbers = #tpu.dot_dimension_numbers<[1], [0], [0], [1], [0, 0, 1, 1], [], []>, transpose_lhs_hint = false} : vector<64x30xf32>, vector<30x256xf32>, vector<64x256xf32> -> vector<64x256xf32>
    %get3A_171 = arith.constant 0 : index
    %get3A_172 = arith.constant 0 : index
    %get3A_173 = vector.load %arg4[%get3A_171, %get3A_172] : memref<210x256xf32, #tpu.memory_space<vmem>>, vector<210x256xf32>
    %dot_general3A_174 = arith.constant dense<0.000000e+00> : vector<64x256xf32>
    %dot_general3A_175 = tpu.matmul %get3A_70, %get3A_173, %dot_general3A_174 {dimension_numbers = #tpu.dot_dimension_numbers<[1], [0], [0], [1], [0, 0, 1, 1], [], []>, transpose_lhs_hint = false} : vector<64x210xf32>, vector<210x256xf32>, vector<64x256xf32> -> vector<64x256xf32>
    %add3A_176 = arith.addf %dot_general3A_170, %dot_general3A_175 : vector<64x256xf32>
    %dot_general3A_177 = arith.constant dense<0.000000e+00> : vector<64x256xf32>
    %dot_general3A_178 = tpu.matmul %get3A_67, %scan3A_167, %dot_general3A_177 {dimension_numbers = #tpu.dot_dimension_numbers<[1], [0], [0], [1], [0, 0, 1, 1], [], []>, transpose_lhs_hint = false} : vector<64x30xf32>, vector<30x256xf32>, vector<64x256xf32> -> vector<64x256xf32>
    %add3A_179 = arith.addf %add3A_176, %dot_general3A_178 : vector<64x256xf32>
    %add3A_180 = vector.broadcast %get3A_91 : vector<64x1xf32> to vector<64x256xf32>
    %add3A_181 = arith.addf %add3A_179, %add3A_180 : vector<64x256xf32>
    %logistic3A = arith.negf %add3A_181 : vector<64x256xf32>
    %logistic3A_182 = math.exp %logistic3A : vector<64x256xf32>
    %logistic3A_183 = arith.constant 1.000000e+00 : f32
    %logistic3A_184 = vector.broadcast %logistic3A_183 : f32 to vector<64x256xf32>
    %logistic3A_185 = arith.addf %logistic3A_184, %logistic3A_182 : vector<64x256xf32>
    %logistic3A_186 = arith.divf %logistic3A_184, %logistic3A_185 : vector<64x256xf32>
    %mul3A = arith.mulf %logistic3A_186, %add3A_181 : vector<64x256xf32>
    %sub3A_187 = arith.constant 1.000000e+00 : f32
    %sub3A_188 = vector.broadcast %sub3A_187 : f32 to vector<64x256xf32>
    %sub3A_189 = arith.subf %sub3A_188, %logistic3A_186 : vector<64x256xf32>
    %mul3A_190 = vector.broadcast %get3A_82 : vector<64x1xf32> to vector<64x256xf32>
    %mul3A_191 = arith.mulf %sub3A_189, %mul3A_190 : vector<64x256xf32>
    %mul3A_192 = arith.mulf %mul3A_191, %add3A_181 : vector<64x256xf32>
    %add3A_193 = arith.addf %mul3A, %mul3A_192 : vector<64x256xf32>
    %dot_general3A_194 = arith.constant dense<0.000000e+00> : vector<16x256xf32>
    %dot_general3A_195 = tpu.matmul %get3A_76, %add3A_193, %dot_general3A_194 {dimension_numbers = #tpu.dot_dimension_numbers<[1], [0], [0], [1], [0, 0, 1, 1], [], []>, transpose_lhs_hint = false} : vector<16x64xf32>, vector<64x256xf32>, vector<16x256xf32> -> vector<16x256xf32>
    %add3A_196 = vector.broadcast %get3A_94 : vector<16x1xf32> to vector<16x256xf32>
    %add3A_197 = arith.addf %dot_general3A_195, %add3A_196 : vector<16x256xf32>
    %logistic3A_198 = arith.negf %add3A_197 : vector<16x256xf32>
    %logistic3A_199 = math.exp %logistic3A_198 : vector<16x256xf32>
    %logistic3A_200 = arith.constant 1.000000e+00 : f32
    %logistic3A_201 = vector.broadcast %logistic3A_200 : f32 to vector<16x256xf32>
    %logistic3A_202 = arith.addf %logistic3A_201, %logistic3A_199 : vector<16x256xf32>
    %logistic3A_203 = arith.divf %logistic3A_201, %logistic3A_202 : vector<16x256xf32>
    %mul3A_204 = arith.mulf %logistic3A_203, %add3A_197 : vector<16x256xf32>
    %sub3A_205 = arith.constant 1.000000e+00 : f32
    %sub3A_206 = vector.broadcast %sub3A_205 : f32 to vector<16x256xf32>
    %sub3A_207 = arith.subf %sub3A_206, %logistic3A_203 : vector<16x256xf32>
    %mul3A_208 = vector.broadcast %get3A_85 : vector<16x1xf32> to vector<16x256xf32>
    %mul3A_209 = arith.mulf %sub3A_207, %mul3A_208 : vector<16x256xf32>
    %mul3A_210 = arith.mulf %mul3A_209, %add3A_197 : vector<16x256xf32>
    %add3A_211 = arith.addf %mul3A_204, %mul3A_210 : vector<16x256xf32>
    %dot_general3A_212 = arith.constant dense<0.000000e+00> : vector<1x256xf32>
    %dot_general3A_213 = tpu.matmul %get3A_79, %add3A_211, %dot_general3A_212 {dimension_numbers = #tpu.dot_dimension_numbers<[1], [0], [0], [1], [0, 0, 1, 1], [], []>, transpose_lhs_hint = false} : vector<1x16xf32>, vector<16x256xf32>, vector<1x256xf32> -> vector<1x256xf32>
    %add3A_214 = vector.broadcast %get3A_97 : vector<1x1xf32> to vector<1x256xf32>
    %add3A_215 = arith.addf %dot_general3A_213, %add3A_214 : vector<1x256xf32>
    %logistic3A_216 = arith.negf %add3A_215 : vector<1x256xf32>
    %logistic3A_217 = math.exp %logistic3A_216 : vector<1x256xf32>
    %logistic3A_218 = arith.constant 1.000000e+00 : f32
    %logistic3A_219 = vector.broadcast %logistic3A_218 : f32 to vector<1x256xf32>
    %logistic3A_220 = arith.addf %logistic3A_219, %logistic3A_217 : vector<1x256xf32>
    %logistic3A_221 = arith.divf %logistic3A_219, %logistic3A_220 : vector<1x256xf32>
    %mul3A_222 = arith.mulf %logistic3A_221, %add3A_215 : vector<1x256xf32>
    %sub3A_223 = arith.constant 1.000000e+00 : f32
    %sub3A_224 = vector.broadcast %sub3A_223 : f32 to vector<1x256xf32>
    %sub3A_225 = arith.subf %sub3A_224, %logistic3A_221 : vector<1x256xf32>
    %mul3A_226 = vector.broadcast %get3A_88 : vector<1x1xf32> to vector<1x256xf32>
    %mul3A_227 = arith.mulf %sub3A_225, %mul3A_226 : vector<1x256xf32>
    %mul3A_228 = arith.mulf %mul3A_227, %add3A_215 : vector<1x256xf32>
    %add3A_229 = arith.addf %mul3A_222, %mul3A_228 : vector<1x256xf32>
    %logistic3A_230 = arith.negf %add3A_229 : vector<1x256xf32>
    %logistic3A_231 = math.exp %logistic3A_230 : vector<1x256xf32>
    %logistic3A_232 = arith.constant 1.000000e+00 : f32
    %logistic3A_233 = vector.broadcast %logistic3A_232 : f32 to vector<1x256xf32>
    %logistic3A_234 = arith.addf %logistic3A_233, %logistic3A_231 : vector<1x256xf32>
    %logistic3A_235 = arith.divf %logistic3A_233, %logistic3A_234 : vector<1x256xf32>
    %swap3A_236 = arith.constant 0 : index
    %swap3A_237 = arith.constant 0 : index
    %swap3A_238 = vector.load %arg48[%swap3A_236, %swap3A_237] : memref<1x256xf32, #tpu.memory_space<vmem>>, vector<1x256xf32>
    tpu.vector_store %arg48[%swap3A_236, %swap3A_237], %logistic3A_235 {strides = array<i32>} : memref<1x256xf32, #tpu.memory_space<vmem>>, vector<1x256xf32>,
    %eq3A = arith.constant 0 : i32
    %eq3A_239 = arith.cmpi eq, %arg0, %eq3A : i32
    %convert_element_type3A = arith.extui %eq3A_239 : i1 to i32
    %cond3A = arith.constant 0 : i32
    %cond3A_240 = arith.cmpi ne, %convert_element_type3A, %cond3A : i32
    scf.if %cond3A_240 {
      %swap3A_250 = arith.constant 0 : index
      %swap3A_251 = memref.load %arg52[%swap3A_250] : memref<2xf32, #tpu.memory_space<smem>>
      memref.store %scan3A_143#0, %arg52[%swap3A_250] : memref<2xf32, #tpu.memory_space<smem>>
      %swap3A_252 = arith.constant 1 : index
      %swap3A_253 = memref.load %arg52[%swap3A_252] : memref<2xf32, #tpu.memory_space<smem>>
      memref.store %scan3A_143#1, %arg52[%swap3A_252] : memref<2xf32, #tpu.memory_space<smem>>
    } else {
    }
    %gt3A = arith.constant 0 : i32
    %gt3A_241 = arith.cmpi sgt, %arg0, %gt3A : i32
    %convert_element_type3A_242 = arith.extui %gt3A_241 : i1 to i32
    %cond3A_243 = arith.constant 0 : i32
    %cond3A_244 = arith.cmpi ne, %convert_element_type3A_242, %cond3A_243 : i32
    scf.if %cond3A_244 {
      %get3A_250 = arith.constant 0 : index
      %get3A_251 = memref.load %arg52[%get3A_250] : memref<2xf32, #tpu.memory_space<smem>>
      %add3A_252 = arith.addf %get3A_251, %scan3A_143#0 : f32
      %swap3A_253 = arith.constant 0 : index
      %swap3A_254 = memref.load %arg52[%swap3A_253] : memref<2xf32, #tpu.memory_space<smem>>
      memref.store %add3A_252, %arg52[%swap3A_253] : memref<2xf32, #tpu.memory_space<smem>>
      %get3A_255 = arith.constant 1 : index
      %get3A_256 = memref.load %arg52[%get3A_255] : memref<2xf32, #tpu.memory_space<smem>>
      %add3A_257 = arith.addf %get3A_256, %scan3A_143#1 : f32
      %swap3A_258 = arith.constant 1 : index
      %swap3A_259 = memref.load %arg52[%swap3A_258] : memref<2xf32, #tpu.memory_space<smem>>
      memref.store %add3A_257, %arg52[%swap3A_258] : memref<2xf32, #tpu.memory_space<smem>>
    } else {
    }
    %eq3A_245 = arith.constant 3 : i32
    %eq3A_246 = arith.cmpi eq, %arg0, %eq3A_245 : i32
    %convert_element_type3A_247 = arith.extui %eq3A_246 : i1 to i32
    %cond3A_248 = arith.constant 0 : i32
    %cond3A_249 = arith.cmpi ne, %convert_element_type3A_247, %cond3A_248 : i32
    scf.if %cond3A_249 {
      %get3A_250 = arith.constant 0 : index
      %get3A_251 = memref.load %arg52[%get3A_250] : memref<2xf32, #tpu.memory_space<smem>>
      %get3A_252 = arith.constant 1 : index
      %get3A_253 = memref.load %arg52[%get3A_252] : memref<2xf32, #tpu.memory_space<smem>>
      %max3A = arith.constant 1.000000e+00 : f32
      %max3A_254 = arith.maximumf %get3A_253, %max3A : f32
      %div3A_255 = arith.divf %get3A_251, %max3A_254 : f32
      %reshape3A = vector.broadcast %div3A_255 : f32 to vector<1x1xf32>
      %swap3A_256 = arith.constant 0 : index
      %swap3A_257 = arith.constant 0 : index
      %swap3A_258 = vector.load %arg49[%swap3A_256, %swap3A_257] : memref<1x1xf32, #tpu.memory_space<vmem>>, vector<1x1xf32>
      tpu.vector_store %arg49[%swap3A_256, %swap3A_257], %reshape3A {strides = array<i32>} : memref<1x1xf32, #tpu.memory_space<vmem>>, vector<1x1xf32>,
    } else {
    }
    return
  }
  func.func @transform_0(%arg0: i32) -> (i32, i32, i32) {
    %c0_i32 = arith.constant 0 : i32
    %c0_i32_0 = arith.constant 0 : i32
    %c0_i32_1 = arith.constant 0 : i32
    return %c0_i32, %c0_i32_0, %arg0 : i32, i32, i32
  }
  func.func @transform_1(%arg0: i32) -> (i32, i32, i32) {
    %c0_i32 = arith.constant 0 : i32
    %c0_i32_0 = arith.constant 0 : i32
    %c0_i32_1 = arith.constant 0 : i32
    return %c0_i32, %c0_i32_0, %arg0 : i32, i32, i32
  }
  func.func @transform_2(%arg0: i32) -> (i32, i32) {
    %c0_i32 = arith.constant 0 : i32
    %c0_i32_0 = arith.constant 0 : i32
    return %c0_i32, %arg0 : i32, i32
  }
  func.func @transform_3(%arg0: i32) -> (i32, i32) {
    %c0_i32 = arith.constant 0 : i32
    %c0_i32_0 = arith.constant 0 : i32
    return %c0_i32, %arg0 : i32, i32
  }
  func.func @transform_4(%arg0: i32) -> (i32, i32) {
    %c0_i32 = arith.constant 0 : i32
    %c0_i32_0 = arith.constant 0 : i32
    return %c0_i32, %arg0 : i32, i32
  }
  func.func @transform_5(%arg0: i32) -> (i32, i32) {
    %c0_i32 = arith.constant 0 : i32
    %c0_i32_0 = arith.constant 0 : i32
    %c0_i32_1 = arith.constant 0 : i32
    return %c0_i32, %c0_i32_0 : i32, i32
  }
  func.func @transform_6(%arg0: i32) -> (i32, i32) {
    %c0_i32 = arith.constant 0 : i32
    %c0_i32_0 = arith.constant 0 : i32
    %c0_i32_1 = arith.constant 0 : i32
    return %c0_i32, %c0_i32_0 : i32, i32
  }
  func.func @transform_7(%arg0: i32) -> (i32, i32) {
    %c0_i32 = arith.constant 0 : i32
    %c0_i32_0 = arith.constant 0 : i32
    %c0_i32_1 = arith.constant 0 : i32
    return %c0_i32, %c0_i32_0 : i32, i32
  }
  func.func @transform_8(%arg0: i32) -> (i32, i32) {
    %c0_i32 = arith.constant 0 : i32
    %c0_i32_0 = arith.constant 0 : i32
    %c0_i32_1 = arith.constant 0 : i32
    return %c0_i32, %c0_i32_0 : i32, i32
  }
  func.func @transform_9(%arg0: i32) -> (i32, i32) {
    %c0_i32 = arith.constant 0 : i32
    %c0_i32_0 = arith.constant 0 : i32
    %c0_i32_1 = arith.constant 0 : i32
    return %c0_i32, %c0_i32_0 : i32, i32
  }
  func.func @transform_10(%arg0: i32) -> (i32, i32) {
    %c0_i32 = arith.constant 0 : i32
    %c0_i32_0 = arith.constant 0 : i32
    %c0_i32_1 = arith.constant 0 : i32
    return %c0_i32, %c0_i32_0 : i32, i32
  }
  func.func @transform_11(%arg0: i32) -> (i32, i32) {
    %c0_i32 = arith.constant 0 : i32
    %c0_i32_0 = arith.constant 0 : i32
    %c0_i32_1 = arith.constant 0 : i32
    return %c0_i32, %c0_i32_0 : i32, i32
  }
  func.func @transform_12(%arg0: i32) -> (i32, i32) {
    %c0_i32 = arith.constant 0 : i32
    %c0_i32_0 = arith.constant 0 : i32
    %c0_i32_1 = arith.constant 0 : i32
    return %c0_i32, %c0_i32_0 : i32, i32
  }
  func.func @transform_13(%arg0: i32) -> (i32, i32) {
    %c0_i32 = arith.constant 0 : i32
    %c0_i32_0 = arith.constant 0 : i32
    %c0_i32_1 = arith.constant 0 : i32
    return %c0_i32, %c0_i32_0 : i32, i32
  }
  func.func @transform_14(%arg0: i32) -> (i32, i32) {
    %c0_i32 = arith.constant 0 : i32
    %c0_i32_0 = arith.constant 0 : i32
    %c0_i32_1 = arith.constant 0 : i32
    return %c0_i32, %c0_i32_0 : i32, i32
  }
  func.func @transform_15(%arg0: i32) -> (i32, i32) {
    %c0_i32 = arith.constant 0 : i32
    %c0_i32_0 = arith.constant 0 : i32
    %c0_i32_1 = arith.constant 0 : i32
    return %c0_i32, %c0_i32_0 : i32, i32
  }
  func.func @transform_16(%arg0: i32) -> (i32, i32) {
    %c0_i32 = arith.constant 0 : i32
    %c0_i32_0 = arith.constant 0 : i32
    %c0_i32_1 = arith.constant 0 : i32
    return %c0_i32, %c0_i32_0 : i32, i32
  }
  func.func @transform_17(%arg0: i32) -> (i32, i32) {
    %c0_i32 = arith.constant 0 : i32
    %c0_i32_0 = arith.constant 0 : i32
    %c0_i32_1 = arith.constant 0 : i32
    return %c0_i32, %c0_i32_0 : i32, i32
  }
  func.func @transform_18(%arg0: i32) -> (i32, i32) {
    %c0_i32 = arith.constant 0 : i32
    %c0_i32_0 = arith.constant 0 : i32
    %c0_i32_1 = arith.constant 0 : i32
    return %c0_i32, %c0_i32_0 : i32, i32
  }
  func.func @transform_19(%arg0: i32) -> (i32, i32) {
    %c0_i32 = arith.constant 0 : i32
    %c0_i32_0 = arith.constant 0 : i32
    %c0_i32_1 = arith.constant 0 : i32
    return %c0_i32, %c0_i32_0 : i32, i32
  }
  func.func @transform_20(%arg0: i32) -> (i32, i32) {
    %c0_i32 = arith.constant 0 : i32
    %c0_i32_0 = arith.constant 0 : i32
    %c0_i32_1 = arith.constant 0 : i32
    return %c0_i32, %c0_i32_0 : i32, i32
  }
  func.func @transform_21(%arg0: i32) -> (i32, i32) {
    %c0_i32 = arith.constant 0 : i32
    %c0_i32_0 = arith.constant 0 : i32
    %c0_i32_1 = arith.constant 0 : i32
    return %c0_i32, %c0_i32_0 : i32, i32
  }
  func.func @transform_22(%arg0: i32) -> (i32, i32) {
    %c0_i32 = arith.constant 0 : i32
    %c0_i32_0 = arith.constant 0 : i32
    %c0_i32_1 = arith.constant 0 : i32
    return %c0_i32, %c0_i32_0 : i32, i32
  }
  func.func @transform_23(%arg0: i32) -> (i32, i32) {
    %c0_i32 = arith.constant 0 : i32
    %c0_i32_0 = arith.constant 0 : i32
    %c0_i32_1 = arith.constant 0 : i32
    return %c0_i32, %c0_i32_0 : i32, i32
  }
  func.func @transform_24(%arg0: i32) -> (i32, i32) {
    %c0_i32 = arith.constant 0 : i32
    %c0_i32_0 = arith.constant 0 : i32
    %c0_i32_1 = arith.constant 0 : i32
    return %c0_i32, %c0_i32_0 : i32, i32
  }
  func.func @transform_25(%arg0: i32) -> (i32, i32) {
    %c0_i32 = arith.constant 0 : i32
    %c0_i32_0 = arith.constant 0 : i32
    %c0_i32_1 = arith.constant 0 : i32
    return %c0_i32, %c0_i32_0 : i32, i32
  }
  func.func @transform_26(%arg0: i32) -> (i32, i32) {
    %c0_i32 = arith.constant 0 : i32
    %c0_i32_0 = arith.constant 0 : i32
    %c0_i32_1 = arith.constant 0 : i32
    return %c0_i32, %c0_i32_0 : i32, i32
  }
  func.func @transform_27(%arg0: i32) -> (i32, i32) {
    %c0_i32 = arith.constant 0 : i32
    %c0_i32_0 = arith.constant 0 : i32
    %c0_i32_1 = arith.constant 0 : i32
    return %c0_i32, %c0_i32_0 : i32, i32
  }
  func.func @transform_28(%arg0: i32) -> (i32, i32) {
    %c0_i32 = arith.constant 0 : i32
    %c0_i32_0 = arith.constant 0 : i32
    %c0_i32_1 = arith.constant 0 : i32
    return %c0_i32, %c0_i32_0 : i32, i32
  }
  func.func @transform_29(%arg0: i32) -> (i32, i32) {
    %c0_i32 = arith.constant 0 : i32
    %c0_i32_0 = arith.constant 0 : i32
    %c0_i32_1 = arith.constant 0 : i32
    return %c0_i32, %c0_i32_0 : i32, i32
  }
  func.func @transform_30(%arg0: i32) -> (i32, i32) {
    %c0_i32 = arith.constant 0 : i32
    %c0_i32_0 = arith.constant 0 : i32
    %c0_i32_1 = arith.constant 0 : i32
    return %c0_i32, %c0_i32_0 : i32, i32
  }
  func.func @transform_31(%arg0: i32) -> (i32, i32) {
    %c0_i32 = arith.constant 0 : i32
    %c0_i32_0 = arith.constant 0 : i32
    %c0_i32_1 = arith.constant 0 : i32
    return %c0_i32, %c0_i32_0 : i32, i32
  }
  func.func @transform_32(%arg0: i32) -> (i32, i32) {
    %c0_i32 = arith.constant 0 : i32
    %c0_i32_0 = arith.constant 0 : i32
    %c0_i32_1 = arith.constant 0 : i32
    return %c0_i32, %c0_i32_0 : i32, i32
  }
  func.func @transform_33(%arg0: i32) -> (i32, i32) {
    %c0_i32 = arith.constant 0 : i32
    %c0_i32_0 = arith.constant 0 : i32
    %c0_i32_1 = arith.constant 0 : i32
    return %c0_i32, %c0_i32_0 : i32, i32
  }
  func.func @transform_34(%arg0: i32) -> (i32, i32) {
    %c0_i32 = arith.constant 0 : i32
    %c0_i32_0 = arith.constant 0 : i32
    %c0_i32_1 = arith.constant 0 : i32
    return %c0_i32, %c0_i32_0 : i32, i32
  }
  func.func @transform_35(%arg0: i32) -> (i32, i32) {
    %c0_i32 = arith.constant 0 : i32
    %c0_i32_0 = arith.constant 0 : i32
    %c0_i32_1 = arith.constant 0 : i32
    return %c0_i32, %c0_i32_0 : i32, i32
  }
  func.func @transform_36(%arg0: i32) -> (i32, i32) {
    %c0_i32 = arith.constant 0 : i32
    %c0_i32_0 = arith.constant 0 : i32
    %c0_i32_1 = arith.constant 0 : i32
    return %c0_i32, %c0_i32_0 : i32, i32
  }
  func.func @transform_37(%arg0: i32) -> (i32, i32) {
    %c0_i32 = arith.constant 0 : i32
    %c0_i32_0 = arith.constant 0 : i32
    %c0_i32_1 = arith.constant 0 : i32
    return %c0_i32, %c0_i32_0 : i32, i32
  }
  func.func @transform_38(%arg0: i32) -> (i32, i32) {
    %c0_i32 = arith.constant 0 : i32
    %c0_i32_0 = arith.constant 0 : i32
    %c0_i32_1 = arith.constant 0 : i32
    return %c0_i32, %c0_i32_0 : i32, i32
  }
  func.func @transform_39(%arg0: i32) -> (i32, i32) {
    %c0_i32 = arith.constant 0 : i32
    %c0_i32_0 = arith.constant 0 : i32
    %c0_i32_1 = arith.constant 0 : i32
    return %c0_i32, %c0_i32_0 : i32, i32
  }
  func.func @transform_40(%arg0: i32) -> (i32, i32) {
    %c0_i32 = arith.constant 0 : i32
    %c0_i32_0 = arith.constant 0 : i32
    %c0_i32_1 = arith.constant 0 : i32
    return %c0_i32, %c0_i32_0 : i32, i32
  }
  func.func @transform_41(%arg0: i32) -> (i32, i32) {
    %c0_i32 = arith.constant 0 : i32
    %c0_i32_0 = arith.constant 0 : i32
    %c0_i32_1 = arith.constant 0 : i32
    return %c0_i32, %c0_i32_0 : i32, i32
  }
  func.func @transform_42(%arg0: i32) -> (i32, i32) {
    %c0_i32 = arith.constant 0 : i32
    %c0_i32_0 = arith.constant 0 : i32
    %c0_i32_1 = arith.constant 0 : i32
    return %c0_i32, %c0_i32_0 : i32, i32
  }
  func.func @transform_43(%arg0: i32) -> (i32, i32) {
    %c0_i32 = arith.constant 0 : i32
    %c0_i32_0 = arith.constant 0 : i32
    %c0_i32_1 = arith.constant 0 : i32
    return %c0_i32, %c0_i32_0 : i32, i32
  }
  func.func @transform_44(%arg0: i32) -> (i32, i32) {
    %c0_i32 = arith.constant 0 : i32
    %c0_i32_0 = arith.constant 0 : i32
    %c0_i32_1 = arith.constant 0 : i32
    return %c0_i32, %c0_i32_0 : i32, i32
  }
  func.func @transform_45(%arg0: i32) -> (i32, i32) {
    %c0_i32 = arith.constant 0 : i32
    %c0_i32_0 = arith.constant 0 : i32
    %c0_i32_1 = arith.constant 0 : i32
    return %c0_i32, %c0_i32_0 : i32, i32
  }
  func.func @transform_46(%arg0: i32) -> (i32, i32) {
    %c0_i32 = arith.constant 0 : i32
    %c0_i32_0 = arith.constant 0 : i32
    %c0_i32_1 = arith.constant 0 : i32
    return %c0_i32, %c0_i32_0 : i32, i32
  }
  func.func @transform_47(%arg0: i32) -> (i32, i32) {
    %c0_i32 = arith.constant 0 : i32
    %c0_i32_0 = arith.constant 0 : i32
    return %c0_i32, %arg0 : i32, i32
  }
  func.func @transform_48(%arg0: i32) -> (i32, i32) {
    %c0_i32 = arith.constant 0 : i32
    %c0_i32_0 = arith.constant 0 : i32
    %c0_i32_1 = arith.constant 0 : i32
    return %c0_i32, %c0_i32_0 : i32, i32
  }
}

</mosaic_0001>

<sc_bundles>
// kernel: kernel.4.cloned.1.call-start
scs
__scs_entry_jumppad:
0x0: {  	(pc) =	sbr.rel $0x88, $3  }
0x1: {  	(tag) =	ssettag $0x0;
	lr =	simm.s32 $0x1  }
0x2: {  	[smem:$0x3F82] =	sst lr;
	_ =	strace $0xD0000000  }
0x3: {  	_ = 	snop  }
0x4: {  	_ = 	snop  }
0x5: {  	_ = 	snop  }
0x6: {  	_ = 	snop  }
0x7: {  	_ = 	snop  }
__scs_overlays_trampoline_lowered:
0x8: {  	[smem:$0x3F91] =	sst s0  }
0x9: {  	[smem:$0x3F92] =	sst s1  }
0xa: {  	[smem:$0x3F93] =	sst s2  }
0xb: {  	[smem:$0x3F94] =	sst s3  }
0xc: {  	[smem:$0x3F95] =	sst s4  }
0xd: {  	[smem:$0x3F96] =	sst s5  }
0xe: {  	[smem:$0x3F97] =	sst s6  }
0xf: {  	[smem:$0x3F98] =	sst s7  }
0x10: {  	[smem:$0x3F99] =	sst s8  }
0x11: {  	[smem:$0x3F9A] =	sst s9;
	s0 =	simm.s32 @!p0 $0x0  }
0x12: {  	s1 =	sld [smem:$0x3F80];
	s0 =	simm.s32 @p0 $0x1  }
0x13: {  	[smem:$0x3F9B] =	sst s0;
	s0 =	simm.s32 @!p1 $0x0  }
0x14: {  	s2 =	sld [smem:$0x3F7F];
	s0 =	simm.s32 @p1 $0x1  }
0x15: {  	[smem:$0x3F9C] =	sst s0;
	s0 =	simm.s32 @!p2 $0x0  }
0x16: {  	s3 =	sld [smem:$0x3FDB];
	s0 =	simm.s32 @p2 $0x1  }
0x17: {  	s4 =	simm.s32 $0x1BF5;
	[smem:$0x3F9E] =	sst s0  }
0x18: {  	s0 =	sld [smem:$0x3F81];
	_ =	swait.ge [sflag:s4], $0x0  }
0x19: {  	s7 =	sld [smem:$0x3F82]  }
0x1a: {  	s8 =	sadd.s32 $0xFFFFE003, lr  }
0x1b: {  	s9 =	sadd.s32 $0xFFFFFEF7, lr;
	s5 =	simm.s32 $0xFFFFFFFF;
	p2 =	slt.u32 s8, $0xFFFFF086  }
0x1c: {  	p1 =	slt.u32 s9, $0xF7A;
	s5 =	simm.s32 @!p2 $0x0  }
0x1d: {  	s5 =	simm.s32 @p1 $0x1;
	p0 =	seq.s32 s7, s2  }
0x1e: {  	s7 =	smul.u32 @!p0 $0xF7A, s2;
	p2 =	seq.s32 @!p0 s5, $0x0  }
0x1f: {  	s9 =	smul.u32 $0xF7A, s1;
	s8 =	simm.s32 @!p0 $0x1BF5;
	p2 =	por !p2, p0  }
0x20: {  	[sflag:s8] =	ssyncset.s32 @!p0 $0xFFFFF086;
	s6 =	sadd.s32 @!p0 s3, s7;
	s7 =	simm.s32 @!p0 $0x108  }
0x21: {  	s3 =	sadd.s32 s3, s9;
	s6 =	sadd.s32 @!p0 $0x88, s6;
	s7 =	simm.s32 @p2 $0x1082  }
0x22: {  	[simem:s7], [sflag:s8] =	dma.local @!p0 [hbm:s6], $0xF7A  }
0x23: {  	s9 =	sor.u32 $0xD0000000, s2;
	s6 =	simm.s32 $0x108;
	_ =	swait.ge @!p0 [sflag:s8], $0x0  }
0x24: {  	s3 =	sadd.s32 $0x88, s3;
	s6 =	simm.s32 @!p1 $0x1082;
	[sflag:s4] =	ssyncset.s32 $0xFFFFF086  }
0x25: {  	[simem:s6], [sflag:s4] =	dma.local [hbm:s3], $0xF7A  }
0x26: {  	[smem:$0x3F82] =	sst s1;
	(tag) =	ssettag s2;
	_ =	strace s9  }
0x27: {  	s1 =	sld [smem:$0x3F92]  }
0x28: {  	s2 =	sld [smem:$0x3F93]  }
0x29: {  	s4 =	sld [smem:$0x3F95]  }
0x2a: {  	p0 =	seq.s32 s5, $0x0;
	s5 =	sld [smem:$0x3F96]  }
0x2b: {  	s6 =	sld [smem:$0x3F97]  }
0x2c: {  	s7 =	sld [smem:$0x3F98]  }
0x2d: {  	s3 =	simm.s32 $0x108;
	s8 =	sld [smem:$0x3F99]  }
0x2e: {  	s3 =	simm.s32 @!p0 $0x1082;
	s9 =	sld [smem:$0x3F9A]  }
0x2f: {  	lr =	sadd.s32 s0, s3;
	s0 =	sld [smem:$0x3F91]  }
0x30: {  	s3 =	sld [smem:$0x3F94]  }
0x31: {  	[smem:$0x3F9D] =	sst s10  }
0x32: {  	s10 =	sld [smem:$0x3F9B];
	_ =	sdelay $0x3  }
0x33: {  	p0 =	seq.s32 s10, $0x1;
	s10 =	sld [smem:$0x3F9D];
	_ =	sdelay $0x3  }
0x34: {  	[smem:$0x3F9D] =	sst s10  }
0x35: {  	s10 =	sld [smem:$0x3F9C];
	_ =	sdelay $0x3  }
0x36: {  	p1 =	seq.s32 s10, $0x1;
	s10 =	sld [smem:$0x3F9D];
	_ =	sdelay $0x3  }
0x37: {  	[smem:$0x3F9D] =	sst s10  }
0x38: {  	s10 =	sld [smem:$0x3F9E]  }
0x39: {  	_ = 	snop;
	(pc) =	sbr.ind lr, $3  }
0x3a: {  	_ = 	snop  }
0x3b: {  	_ = 	snop  }
0x3c: {  	p2 =	seq.s32 s10, $0x1;
	s10 =	sld [smem:$0x3F9D]  }
0x3d: {  	_ =	shalt  }
0x3e: {  	_ =	shalt  }
0x3f: {  	_ =	shalt  }
0x40: {  	_ =	shalt  }
0x41: {  	_ =	shalt  }
0x42: {  	_ =	shalt  }
0x43: {  	_ =	shalt  }
0x44: {  	_ =	shalt  }
0x45: {  	_ =	shalt  }
0x46: {  	_ =	shalt  }
0x47: {  	_ =	shalt  }
0x48: {  	_ =	shalt  }
0x49: {  	_ =	shalt  }
0x4a: {  	_ =	shalt  }
0x4b: {  	_ =	shalt  }
0x4c: {  	_ =	shalt  }
0x4d: {  	_ =	shalt  }
0x4e: {  	_ =	shalt  }
0x4f: {  	_ =	shalt  }
0x50: {  	_ =	shalt  }
0x51: {  	_ =	shalt  }
0x52: {  	_ =	shalt  }
0x53: {  	_ =	shalt  }
0x54: {  	_ =	shalt  }
0x55: {  	_ =	shalt  }
0x56: {  	_ =	shalt  }
0x57: {  	_ =	shalt  }
0x58: {  	_ =	shalt  }
0x59: {  	_ =	shalt  }
0x5a: {  	_ =	shalt  }
0x5b: {  	_ =	shalt  }
0x5c: {  	_ =	shalt  }
0x5d: {  	_ =	shalt  }
0x5e: {  	_ =	shalt  }
0x5f: {  	_ =	shalt  }
0x60: {  	_ =	shalt  }
0x61: {  	_ =	shalt  }
0x62: {  	_ =	shalt  }
0x63: {  	_ =	shalt  }
0x64: {  	_ =	shalt  }
0x65: {  	_ =	shalt  }
0x66: {  	_ =	shalt  }
0x67: {  	_ =	shalt  }
0x68: {  	_ =	shalt  }
0x69: {  	_ =	shalt  }
0x6a: {  	_ =	shalt  }
0x6b: {  	_ =	shalt  }
0x6c: {  	_ =	shalt  }
0x6d: {  	_ =	shalt  }
0x6e: {  	_ =	shalt  }
0x6f: {  	_ =	shalt  }
0x70: {  	_ =	shalt  }
0x71: {  	_ =	shalt  }
0x72: {  	_ =	shalt  }
0x73: {  	_ =	shalt  }
0x74: {  	_ =	shalt  }
0x75: {  	_ =	shalt  }
0x76: {  	_ =	shalt  }
0x77: {  	_ =	shalt  }
0x78: {  	_ =	shalt  }
0x79: {  	_ =	shalt  }
0x7a: {  	_ =	shalt  }
0x7b: {  	_ =	shalt  }
0x7c: {  	_ =	shalt  }
0x7d: {  	_ =	shalt  }
0x7e: {  	_ =	shalt  }
0x7f: {  	_ =	shalt  }
0x80: {  	_ =	shalt  }
0x81: {  	_ =	shalt  }
0x82: {  	_ =	shalt  }
0x83: {  	_ =	shalt  }
0x84: {  	_ =	shalt  }
0x85: {  	_ =	shalt  }
0x86: {  	_ =	shalt  }
0x87: {  	_ =	shalt  }
.Lfunc_end0:
.L_simem_size_0:
called_computation.1_lowered:
.L_overlay_start_0:
0x88: {  	s2 =	sld [smem:$0x3FD9]  }
0x89: {  	s3 =	sld [smem:$0x3FFE];
	_ =	sdelay $0x1  }
0x8a: {  	s1 =	srdreg.scid  }
0x8b: {  	s0 =	sand.u32 $0x1, s1  }
0x8c: {  	s16 =	sshll.u32 s0, $0xA;
	s2 =	sadd.s32 s3, s2  }
0x8d: {  	s2 =	sadd.s32 s2, s16  }
0x8e: {  	[smem:$0x3FA9] =	sst s2  }
0x8f: {  	_ = 	snop  }
0x90: {  	(tm) =	ssettm $0x1  }
0x91: {  	s17 =	sld [smem:$0x3FFB];
	_ =	sdelay $0x3  }
0x92: {  	_ =	strace s17  }
0x93: {  	s2 =	sld [smem:$0x3FFC];
	_ =	sdelay $0x3  }
0x94: {  	_ =	strace s2  }
0x95: {  	s2 =	sld [smem:$0x3FFD];
	_ =	sdelay $0x3  }
0x96: {  	_ =	strace s2  }
0x97: {  	_ =	strace $0x8FFFFFFF  }
0x98: {  	s18 =	sld [smem:$0x3FDB];
	_ =	sdelay $0x1  }
0x99: {  	s19 =	simm.s32 $_scs_section_size  }
0x9a: {  	s4 =	simm.s32 $_size__tile_overlayer_lowered;
	s5 =	simm.s32 $_tile_overlayer_lowered  }
0x9b: {  	s22 =	simm.s32 $0x1BFF;
	s21 =	sshll.u32 s5, $0x1;
	s2 =	sadd.s32 s19, s18  }
0x9c: {  	s6 =	simm.s32 $0x0;
	s20 =	sshll.u32 s4, $0x1;
	s4 =	sadd.s32 s21, s2  }
0x9d: {  	[timem:s6], [sflag:s22] =	dma.local [hbm:s4], s20  }
0x9e: {  	_ =	swait.ge [sflag:s22], s20  }
0x9f: {  	s3 =	ssub.s32 $0x0, s20;
	[sflag:s22] =	ssyncset.done $0x0  }
0xa0: {  	[sflag:s22] =	ssyncadd.s32 s3;
	_ =	sdelay $0x1  }
0xa1: {  	s23 =	simm.s32 $0x1B8B  }
0xa2: {  	_ =	swait.ge [sflag:s23], $0x1  }
0xa3: {  	[sflag:s23] =	ssyncset.done $0x0  }
0xa4: {  	s25 =	simm.s32 $0x1B8E;
	s24 =	sld [smem:$0x3FFE];
	[sflag:s23] =	ssyncadd.s32 $0xFFFFFFFF  }
0xa5: {  	s26 =	simm.s32 $execute0_lowered;
	[smem:$0x3FD2] =	sst s25  }
0xa6: {  	s4 =	sshll.u32 s26, $0x1;
	_ =	strace $0x80000049;
	[dreg:$0x1] =	wrdreg $0xFFFFFFFF  }
0xa7: {  	s28 =	simm.s32 $_size_execute0_lowered;
	s2 =	sadd.s32 s2, s4;
	[dreg:$0x0] =	wrdreg $0x0  }
0xa8: {  	s4 =	sshll.u32 s28, $0x1;
	[dreg:$0x2] =	wrdreg s2  }
0xa9: {  	[dreg:$0x3] =	wrdreg s4  }
0xaa: {  	[dreg:$0x4] =	wrdreg $0xC0  }
0xab: {  	_ =	task [dreg:s6], $0x5FFFF  }
0xac: {  	[dreg:$0x1] =	wrdreg $0xFFFFFFFF  }
0xad: {  	[dreg:$0x0] =	wrdreg $0x60  }
0xae: {  	[dreg:$0x2] =	wrdreg s24  }
0xaf: {  	[dreg:$0x3] =	wrdreg $0x9  }
0xb0: {  	_ =	task.clear_ibuf [dreg:s6], $0x4FFFF;
	_ =	strace $0x90000049  }
0xb1: {  	s29 =	simm.s32 $0x9;
	_ =	strace $0x8000004B  }
0xb2: {  	_ =	swait.ge [sflag:s29], $0x1  }
0xb3: {  	[sflag:s29] =	ssyncadd.s32 $0xFFFFFFFF  }
0xb4: {  	_ =	strace $0x9000004B  }
0xb5: {  	_ =	sfence  }
0xb6: {  	s30 =	sld [smem:$0x0];
	_ =	sdelay $0x2  }
0xb7: {  	s31 =	sshll.u32 s1, $0xD;
	s1 =	sshrl.u32 s1, $0x2  }
0xb8: {  	s3 =	sand.u32 $0x4000, s31;
	s1 =	sadd.s32 s1, s30  }
0xb9: {  	s0 =	sor.u32 s3, s0;
	s1 =	sshll.u32 s1, $0x11  }
0xba: {  	s0 =	sor.u32 s1, s0  }
0xbb: {  	s0 =	sadd.s32 $0x8F2B, s0  }
0xbc: {  	[sflag:s0] =	ssyncadd.remote.s32 $0x1  }
0xbd: {  	_ =	sfence.sel $0xFFFF  }
0xbe: {  	[dreg:$0x0] =	wrdreg $0xFFFFFFFF;
	(pc) =	sbr.abs _section_cstart, $3  }
0xbf: {  	[dreg:$0x1] =	wrdreg $0xFFFFFFFF  }
0xc0: {  	_ =	task.clear_ibuf [dreg:s6], $0x2FFFF;
	_ =	strace $0x9FFFFFFF  }
0xc1: {  	(tm) =	ssettm $0x7FFFFFFF  }
tec
execute0_lowered:
.L_overlay_start_1:
0x0: {  	(tag) =	ssettag $0x1  }
0x1: {  	s4 =	rddreg [dreg:$0x0]  }
0x2: {  	s0 =	rddreg [dreg:$0x1];
	s2 =	srdreg.scid  }
0x3: {  	s1 =	stileid.u32;
	s23 =	simm.s32 $0x3F00;
	s24 =	simm.s32 $0x4B00  }
0x4: {  	s26 =	simm.s32 $0x5700;
	s28 =	simm.s32 $0x6300;
	s29 =	simm.s32 $0x6F00  }
0x5: {  	s30 =	simm.s32 $0x7B00;
	s31 =	simm.s32 $0x8700;
	s9 =	simm.s32 $0x9300  }
0x6: {  	s10 =	simm.s32 $0xAB00;
	s5 =	sand.u32 $0x1, s2;
	s2 =	simm.s32 $0x0  }
0x7: {  	s11 =	simm.s32 $0xB700;
	s12 =	simm.s32 $0xC300;
	[smem:$0x7FF] =	sst s2  }
0x8: {  	s13 =	simm.s32 $0xCF00;
	_ =	strace $0x8000004A;
	[dreg:$0x3] =	wrdreg s23  }
0x9: {  	s14 =	simm.s32 $0xDB00;
	s15 =	simm.s32 $0xE700;
	[dreg:$0x4] =	wrdreg s24  }
0xa: {  	s16 =	simm.s32 $0xF300;
	s17 =	simm.s32 $0x1;
	[dreg:$0x5] =	wrdreg s26  }
0xb: {  	s18 =	simm.s32 $0x0;
	s3 =	sshll.u32 s1, $0x1;
	[dreg:$0x6] =	wrdreg s28  }
0xc: {  	s6 =	smul.u32 $0x19800, s1;
	s3 =	sor.u32 s5, s3;
	[dreg:$0x7] =	wrdreg s29  }
0xd: {  	s7 =	smul.u32 $0xCC00, s5;
	s5 =	ssub.s32 $0x2, s5;
	[dreg:$0x8] =	wrdreg s30  }
0xe: {  	s8 =	smul.u32 $0x3300, s3;
	s21 =	sadd.s32 s6, s4;
	[dreg:$0x9] =	wrdreg s31  }
0xf: {  	s3 =	sadd.s32 $0x4600, s4;
	s25 =	sshrl.u32 s5, $0x1;
	[dreg:$0xa] =	wrdreg s9  }
0x10: {  	s9 =	simm.s32 $0x9F00;
	s6 =	sadd.s32 s7, s21;
	s5 =	ssub.s32 s5, s25  }
0x11: {  	s7 =	simm.s32 $0x60;
	s22 =	sshrl.u32 s8, $0x3;
	s6 =	sadd.s32 $0x3D5000, s6  }
0x12: {  	s5 =	smax.u32 s5, $0x1;
	s8 =	simm.s32 $0x3300;
	s4 =	sadd.s32 s22, s4  }
0x13: {  	[dreg:$0x2] =	wrdreg s6;
	s6 =	simm.s32 $0x2;
	s4 =	sadd.s32 $0xF46A00, s4  }
.LBB2_1:
0x14: {  	[tilespmem:s2], [sflag:$0x2] =	stream.linear.gather [hbm4b:s4+s2], $0x3300, $0x38;
	[tilespmem:$0xFF00] =	vst v63  }
0x15: {  	_ =	swait.ge [sflag:s6], $0x3300  }
0x16: {  	[sflag:s6] =	ssyncset.done $0x0  }
0x17: {  	s19 =	simm.s32 $0x0;
	[sflag:s6] =	ssyncadd.s32 $0xFFFFCD00  }
0x18: {  	[tilespmem:s8], [sflag:$0x1] =	stream.indirect.gather [hbm4b:s3+s7], $0x1E, s19, s7, $0xb8;
	[tilespmem:$0xFF00] =	vst v63  }
0x19: {  	s29 =	simm.s32 $0x60;
	s20 =	rddreg [dreg:$0x3]  }
0x1a: {  	[tilespmem:s20], [sflag:$0x1] =	stream.indirect.gather [hbm4b:s3+s7], $0x1E, s29, s7, $0xb8;
	[tilespmem:$0xFF00] =	vst v63  }
0x1b: {  	s31 =	simm.s32 $0xC0;
	s21 =	rddreg [dreg:$0x4]  }
0x1c: {  	[tilespmem:s21], [sflag:$0x1] =	stream.indirect.gather [hbm4b:s3+s7], $0x1E, s31, s7, $0xb8;
	[tilespmem:$0xFF00] =	vst v63  }
0x1d: {  	s30 =	rddreg [dreg:$0x5];
	s21 =	simm.s32 $0x120  }
0x1e: {  	[tilespmem:s30], [sflag:$0x1] =	stream.indirect.gather [hbm4b:s3+s7], $0x1E, s21, s7, $0xb8;
	[tilespmem:$0xFF00] =	vst v63  }
0x1f: {  	s24 =	simm.s32 $0x180;
	s22 =	rddreg [dreg:$0x6]  }
0x20: {  	[tilespmem:s22], [sflag:$0x1] =	stream.indirect.gather [hbm4b:s3+s7], $0x1E, s24, s7, $0xb8;
	[tilespmem:$0xFF00] =	vst v63  }
0x21: {  	s25 =	simm.s32 $0x1E0;
	s23 =	rddreg [dreg:$0x7]  }
0x22: {  	[tilespmem:s23], [sflag:$0x1] =	stream.indirect.gather [hbm4b:s3+s7], $0x1E, s25, s7, $0xb8;
	[tilespmem:$0xFF00] =	vst v63  }
0x23: {  	s28 =	simm.s32 $0x240;
	s26 =	rddreg [dreg:$0x8]  }
0x24: {  	[tilespmem:s26], [sflag:$0x1] =	stream.indirect.gather [hbm4b:s3+s7], $0x1E, s28, s7, $0xb8;
	[tilespmem:$0xFF00] =	vst v63  }
0x25: {  	s29 =	rddreg [dreg:$0x9];
	s30 =	simm.s32 $0x2A0  }
0x26: {  	[tilespmem:s29], [sflag:$0x1] =	stream.indirect.gather [hbm4b:s3+s7], $0x1E, s30, s7, $0xb8;
	[tilespmem:$0xFF00] =	vst v63  }
0x27: {  	s20 =	simm.s32 $0x300;
	s31 =	rddreg [dreg:$0xa]  }
0x28: {  	[tilespmem:s31], [sflag:$0x1] =	stream.indirect.gather [hbm4b:s3+s7], $0x1E, s20, s7, $0xb8;
	[tilespmem:$0xFF00] =	vst v63  }
0x29: {  	s22 =	simm.s32 $0x360  }
0x2a: {  	[tilespmem:s9], [sflag:$0x1] =	stream.indirect.gather [hbm4b:s3+s7], $0x1E, s22, s7, $0xb8;
	[tilespmem:$0xFF00] =	vst v63  }
0x2b: {  	s23 =	simm.s32 $0x3C0  }
0x2c: {  	[tilespmem:s10], [sflag:$0x1] =	stream.indirect.gather [hbm4b:s3+s7], $0x1E, s23, s7, $0xb8;
	[tilespmem:$0xFF00] =	vst v63  }
0x2d: {  	s24 =	simm.s32 $0x420  }
0x2e: {  	[tilespmem:s11], [sflag:$0x1] =	stream.indirect.gather [hbm4b:s3+s7], $0x1E, s24, s7, $0xb8;
	[tilespmem:$0xFF00] =	vst v63  }
0x2f: {  	s25 =	simm.s32 $0x480  }
0x30: {  	[tilespmem:s12], [sflag:$0x1] =	stream.indirect.gather [hbm4b:s3+s7], $0x1E, s25, s7, $0xb8;
	[tilespmem:$0xFF00] =	vst v63  }
0x31: {  	s26 =	simm.s32 $0x4E0  }
0x32: {  	[tilespmem:s13], [sflag:$0x1] =	stream.indirect.gather [hbm4b:s3+s7], $0x1E, s26, s7, $0xb8;
	[tilespmem:$0xFF00] =	vst v63  }
0x33: {  	s28 =	simm.s32 $0x540  }
0x34: {  	[tilespmem:s14], [sflag:$0x1] =	stream.indirect.gather [hbm4b:s3+s7], $0x1E, s28, s7, $0xb8;
	[tilespmem:$0xFF00] =	vst v63  }
0x35: {  	s29 =	simm.s32 $0x5A0  }
0x36: {  	[tilespmem:s15], [sflag:$0x1] =	stream.indirect.gather [hbm4b:s3+s7], $0x1E, s29, s7, $0xb8;
	[tilespmem:$0xFF00] =	vst v63  }
0x37: {  	s30 =	simm.s32 $0x600  }
0x38: {  	[tilespmem:s16], [sflag:$0x1] =	stream.indirect.gather [hbm4b:s3+s7], $0x1E, s30, s7, $0xb8;
	[tilespmem:$0xFF00] =	vst v63  }
0x39: {  	_ =	swait.ge [sflag:s17], $0xB40  }
0x3a: {  	[sflag:s17] =	ssyncset.done $0x0  }
0x3b: {  	[sflag:s17] =	ssyncadd.s32 $0xFFFFF4C0  }
0x3c: {  	_ =	swait.ge [sflag:s17], $0xB40  }
0x3d: {  	[sflag:s17] =	ssyncset.done $0x0  }
0x3e: {  	[sflag:s17] =	ssyncadd.s32 $0xFFFFF4C0  }
0x3f: {  	_ =	swait.ge [sflag:s17], $0xB40  }
0x40: {  	[sflag:s17] =	ssyncset.done $0x0  }
0x41: {  	[sflag:s17] =	ssyncadd.s32 $0xFFFFF4C0  }
0x42: {  	_ =	swait.ge [sflag:s17], $0xB40  }
0x43: {  	[sflag:s17] =	ssyncset.done $0x0  }
0x44: {  	[sflag:s17] =	ssyncadd.s32 $0xFFFFF4C0  }
0x45: {  	_ =	swait.ge [sflag:s17], $0xB40  }
0x46: {  	[sflag:s17] =	ssyncset.done $0x0  }
0x47: {  	[sflag:s17] =	ssyncadd.s32 $0xFFFFF4C0  }
0x48: {  	_ =	swait.ge [sflag:s17], $0xB40  }
0x49: {  	[sflag:s17] =	ssyncset.done $0x0  }
0x4a: {  	[sflag:s17] =	ssyncadd.s32 $0xFFFFF4C0  }
0x4b: {  	_ =	swait.ge [sflag:s17], $0xB40  }
0x4c: {  	[sflag:s17] =	ssyncset.done $0x0  }
0x4d: {  	[sflag:s17] =	ssyncadd.s32 $0xFFFFF4C0  }
0x4e: {  	_ =	swait.ge [sflag:s17], $0xB40  }
0x4f: {  	[sflag:s17] =	ssyncset.done $0x0  }
0x50: {  	[sflag:s17] =	ssyncadd.s32 $0xFFFFF4C0  }
0x51: {  	_ =	swait.ge [sflag:s17], $0xB40  }
0x52: {  	[sflag:s17] =	ssyncset.done $0x0  }
0x53: {  	[sflag:s17] =	ssyncadd.s32 $0xFFFFF4C0  }
0x54: {  	_ =	swait.ge [sflag:s17], $0xB40  }
0x55: {  	[sflag:s17] =	ssyncset.done $0x0  }
0x56: {  	[sflag:s17] =	ssyncadd.s32 $0xFFFFF4C0  }
0x57: {  	_ =	swait.ge [sflag:s17], $0xB40  }
0x58: {  	[sflag:s17] =	ssyncset.done $0x0  }
0x59: {  	[sflag:s17] =	ssyncadd.s32 $0xFFFFF4C0  }
0x5a: {  	_ =	swait.ge [sflag:s17], $0xB40  }
0x5b: {  	[sflag:s17] =	ssyncset.done $0x0  }
0x5c: {  	[sflag:s17] =	ssyncadd.s32 $0xFFFFF4C0  }
0x5d: {  	_ =	swait.ge [sflag:s17], $0xB40  }
0x5e: {  	[sflag:s17] =	ssyncset.done $0x0  }
0x5f: {  	[sflag:s17] =	ssyncadd.s32 $0xFFFFF4C0  }
0x60: {  	_ =	swait.ge [sflag:s17], $0xB40  }
0x61: {  	[sflag:s17] =	ssyncset.done $0x0  }
0x62: {  	[sflag:s17] =	ssyncadd.s32 $0xFFFFF4C0  }
0x63: {  	_ =	swait.ge [sflag:s17], $0xB40  }
0x64: {  	[sflag:s17] =	ssyncset.done $0x0  }
0x65: {  	[sflag:s17] =	ssyncadd.s32 $0xFFFFF4C0  }
0x66: {  	_ =	swait.ge [sflag:s17], $0xB40  }
0x67: {  	[sflag:s17] =	ssyncset.done $0x0  }
0x68: {  	[sflag:s17] =	ssyncadd.s32 $0xFFFFF4C0  }
0x69: {  	_ =	swait.ge [sflag:s17], $0xB40  }
0x6a: {  	s31 =	rddreg [dreg:$0x2];
	[sflag:s17] =	ssyncset.done $0x0  }
0x6b: {  	[sflag:s17] =	ssyncadd.s32 $0xFFFFF4C0;
	s19 =	sadd.s32 $0x0, s31  }
0x6c: {  	[hbm4b:s19+s2] =	stream.linear.scatter [tilespmem:s8], [sflag:$0x2], $0xCC00, $0x38;
	[tilespmem:$0xFF00] =	vst v63  }
0x6d: {  	s20 =	simm.s32 $0x3300;
	s19 =	simm.s32 $0x1980;
	_ =	swait.ge [sflag:s6], $0xCC00  }
.LBB2_2:
0x6e: {  	[sflag:s6] =	ssyncset.done $0x0  }
0x6f: {  	s22 =	sshra.s32 s19, $0x2;
	[sflag:s6] =	ssyncadd.s32 $0xFFFF3400  }
0x70: {  	[tilespmem:s8], [sflag:$0x1] =	stream.indirect.gather [hbm4b:s3+s7], $0x1E, s22, s7, $0xb8;
	[tilespmem:$0xFF00] =	vst v63  }
0x71: {  	s23 =	rddreg [dreg:$0x3];
	s24 =	sadd.s32 $0x60, s22  }
0x72: {  	[tilespmem:s23], [sflag:$0x1] =	stream.indirect.gather [hbm4b:s3+s7], $0x1E, s24, s7, $0xb8;
	[tilespmem:$0xFF00] =	vst v63  }
0x73: {  	s26 =	rddreg [dreg:$0x4];
	s30 =	sadd.s32 $0xC0, s22  }
0x74: {  	[tilespmem:s26], [sflag:$0x1] =	stream.indirect.gather [hbm4b:s3+s7], $0x1E, s30, s7, $0xb8;
	[tilespmem:$0xFF00] =	vst v63  }
0x75: {  	s25 =	rddreg [dreg:$0x5];
	s31 =	sadd.s32 $0x120, s22  }
0x76: {  	[tilespmem:s25], [sflag:$0x1] =	stream.indirect.gather [hbm4b:s3+s7], $0x1E, s31, s7, $0xb8;
	[tilespmem:$0xFF00] =	vst v63  }
0x77: {  	s29 =	sadd.s32 $0x180, s22;
	s30 =	rddreg [dreg:$0x6]  }
0x78: {  	[tilespmem:s30], [sflag:$0x1] =	stream.indirect.gather [hbm4b:s3+s7], $0x1E, s29, s7, $0xb8;
	[tilespmem:$0xFF00] =	vst v63  }
0x79: {  	s28 =	rddreg [dreg:$0x7];
	s31 =	sadd.s32 $0x1E0, s22  }
0x7a: {  	[tilespmem:s28], [sflag:$0x1] =	stream.indirect.gather [hbm4b:s3+s7], $0x1E, s31, s7, $0xb8;
	[tilespmem:$0xFF00] =	vst v63  }
0x7b: {  	s25 =	rddreg [dreg:$0x8];
	s29 =	sadd.s32 $0x240, s22  }
0x7c: {  	[tilespmem:s25], [sflag:$0x1] =	stream.indirect.gather [hbm4b:s3+s7], $0x1E, s29, s7, $0xb8;
	[tilespmem:$0xFF00] =	vst v63  }
0x7d: {  	s30 =	sadd.s32 $0x2A0, s22;
	s31 =	rddreg [dreg:$0x9]  }
0x7e: {  	[tilespmem:s31], [sflag:$0x1] =	stream.indirect.gather [hbm4b:s3+s7], $0x1E, s30, s7, $0xb8;
	[tilespmem:$0xFF00] =	vst v63  }
0x7f: {  	s28 =	sadd.s32 $0x300, s22;
	s29 =	rddreg [dreg:$0xa]  }
0x80: {  	[tilespmem:s29], [sflag:$0x1] =	stream.indirect.gather [hbm4b:s3+s7], $0x1E, s28, s7, $0xb8;
	[tilespmem:$0xFF00] =	vst v63  }
0x81: {  	s30 =	sadd.s32 $0x360, s22  }
0x82: {  	[tilespmem:s9], [sflag:$0x1] =	stream.indirect.gather [hbm4b:s3+s7], $0x1E, s30, s7, $0xb8;
	[tilespmem:$0xFF00] =	vst v63  }
0x83: {  	s31 =	sadd.s32 $0x3C0, s22  }
0x84: {  	[tilespmem:s10], [sflag:$0x1] =	stream.indirect.gather [hbm4b:s3+s7], $0x1E, s31, s7, $0xb8;
	[tilespmem:$0xFF00] =	vst v63  }
0x85: {  	s25 =	sadd.s32 $0x420, s22  }
0x86: {  	[tilespmem:s11], [sflag:$0x1] =	stream.indirect.gather [hbm4b:s3+s7], $0x1E, s25, s7, $0xb8;
	[tilespmem:$0xFF00] =	vst v63  }
0x87: {  	s26 =	sadd.s32 $0x480, s22  }
0x88: {  	[tilespmem:s12], [sflag:$0x1] =	stream.indirect.gather [hbm4b:s3+s7], $0x1E, s26, s7, $0xb8;
	[tilespmem:$0xFF00] =	vst v63  }
0x89: {  	s28 =	sadd.s32 $0x4E0, s22  }
0x8a: {  	[tilespmem:s13], [sflag:$0x1] =	stream.indirect.gather [hbm4b:s3+s7], $0x1E, s28, s7, $0xb8;
	[tilespmem:$0xFF00] =	vst v63  }
0x8b: {  	s29 =	sadd.s32 $0x540, s22  }
0x8c: {  	[tilespmem:s14], [sflag:$0x1] =	stream.indirect.gather [hbm4b:s3+s7], $0x1E, s29, s7, $0xb8;
	[tilespmem:$0xFF00] =	vst v63  }
0x8d: {  	s30 =	sadd.s32 $0x5A0, s22  }
0x8e: {  	[tilespmem:s15], [sflag:$0x1] =	stream.indirect.gather [hbm4b:s3+s7], $0x1E, s30, s7, $0xb8;
	[tilespmem:$0xFF00] =	vst v63  }
0x8f: {  	s22 =	sadd.s32 $0x600, s22  }
0x90: {  	[tilespmem:s16], [sflag:$0x1] =	stream.indirect.gather [hbm4b:s3+s7], $0x1E, s22, s7, $0xb8;
	[tilespmem:$0xFF00] =	vst v63  }
0x91: {  	_ =	swait.ge [sflag:s17], $0xB40  }
0x92: {  	[sflag:s17] =	ssyncset.done $0x0  }
0x93: {  	[sflag:s17] =	ssyncadd.s32 $0xFFFFF4C0  }
0x94: {  	_ =	swait.ge [sflag:s17], $0xB40  }
0x95: {  	[sflag:s17] =	ssyncset.done $0x0  }
0x96: {  	[sflag:s17] =	ssyncadd.s32 $0xFFFFF4C0  }
0x97: {  	_ =	swait.ge [sflag:s17], $0xB40  }
0x98: {  	[sflag:s17] =	ssyncset.done $0x0  }
0x99: {  	[sflag:s17] =	ssyncadd.s32 $0xFFFFF4C0  }
0x9a: {  	_ =	swait.ge [sflag:s17], $0xB40  }
0x9b: {  	[sflag:s17] =	ssyncset.done $0x0  }
0x9c: {  	[sflag:s17] =	ssyncadd.s32 $0xFFFFF4C0  }
0x9d: {  	_ =	swait.ge [sflag:s17], $0xB40  }
0x9e: {  	[sflag:s17] =	ssyncset.done $0x0  }
0x9f: {  	[sflag:s17] =	ssyncadd.s32 $0xFFFFF4C0  }
0xa0: {  	_ =	swait.ge [sflag:s17], $0xB40  }
0xa1: {  	[sflag:s17] =	ssyncset.done $0x0  }
0xa2: {  	[sflag:s17] =	ssyncadd.s32 $0xFFFFF4C0  }
0xa3: {  	_ =	swait.ge [sflag:s17], $0xB40  }
0xa4: {  	[sflag:s17] =	ssyncset.done $0x0  }
0xa5: {  	[sflag:s17] =	ssyncadd.s32 $0xFFFFF4C0  }
0xa6: {  	_ =	swait.ge [sflag:s17], $0xB40  }
0xa7: {  	[sflag:s17] =	ssyncset.done $0x0  }
0xa8: {  	[sflag:s17] =	ssyncadd.s32 $0xFFFFF4C0  }
0xa9: {  	_ =	swait.ge [sflag:s17], $0xB40  }
0xaa: {  	[sflag:s17] =	ssyncset.done $0x0  }
0xab: {  	[sflag:s17] =	ssyncadd.s32 $0xFFFFF4C0  }
0xac: {  	_ =	swait.ge [sflag:s17], $0xB40  }
0xad: {  	[sflag:s17] =	ssyncset.done $0x0  }
0xae: {  	[sflag:s17] =	ssyncadd.s32 $0xFFFFF4C0  }
0xaf: {  	_ =	swait.ge [sflag:s17], $0xB40  }
0xb0: {  	[sflag:s17] =	ssyncset.done $0x0  }
0xb1: {  	[sflag:s17] =	ssyncadd.s32 $0xFFFFF4C0  }
0xb2: {  	_ =	swait.ge [sflag:s17], $0xB40  }
0xb3: {  	[sflag:s17] =	ssyncset.done $0x0  }
0xb4: {  	[sflag:s17] =	ssyncadd.s32 $0xFFFFF4C0  }
0xb5: {  	_ =	swait.ge [sflag:s17], $0xB40  }
0xb6: {  	[sflag:s17] =	ssyncset.done $0x0  }
0xb7: {  	[sflag:s17] =	ssyncadd.s32 $0xFFFFF4C0  }
0xb8: {  	_ =	swait.ge [sflag:s17], $0xB40  }
0xb9: {  	[sflag:s17] =	ssyncset.done $0x0  }
0xba: {  	[sflag:s17] =	ssyncadd.s32 $0xFFFFF4C0  }
0xbb: {  	_ =	swait.ge [sflag:s17], $0xB40  }
0xbc: {  	[sflag:s17] =	ssyncset.done $0x0  }
0xbd: {  	[sflag:s17] =	ssyncadd.s32 $0xFFFFF4C0  }
0xbe: {  	_ =	swait.ge [sflag:s17], $0xB40  }
0xbf: {  	[sflag:s17] =	ssyncset.done $0x0  }
0xc0: {  	p0 =	sne.s32 s20, $0xB280;
	[sflag:s17] =	ssyncadd.s32 $0xFFFFF4C0  }
.Ltmp0:
0xc1: {  	_ =	swait.ge [sflag:s17], $0xB40;
	(pc) =	sbr.rel @p0 .LBB2_2-.Ltmp0, $4  }
0xc2: {  	s31 =	rddreg [dreg:$0x2];
	[sflag:s17] =	ssyncset.done $0x0  }
0xc3: {  	s21 =	smov.u32 s20;
	[sflag:s17] =	ssyncadd.s32 $0xFFFFF4C0;
	s22 =	sadd.s32 s19, s31  }
0xc4: {  	[hbm4b:s22+s2] =	stream.linear.scatter [tilespmem:s8], [sflag:$0x2], $0xCC00, $0x38;
	[tilespmem:$0xFF00] =	vst v63  }
0xc5: {  	s20 =	sadd.s32 $0x1980, s20;
	s19 =	smov.u32 s21;
	_ =	swait.ge [sflag:s6], $0xCC00  }
0xc6: {  	[sflag:s6] =	ssyncset.done $0x0  }
0xc7: {  	s20 =	sshra.s32 s19, $0x2;
	[sflag:s6] =	ssyncadd.s32 $0xFFFF3400  }
0xc8: {  	[tilespmem:s8], [sflag:$0x1] =	stream.indirect.gather [hbm4b:s3+s7], $0x1E, s20, s7, $0xb8;
	[tilespmem:$0xFF00] =	vst v63  }
0xc9: {  	s21 =	rddreg [dreg:$0x3];
	s22 =	sadd.s32 $0x60, s20  }
0xca: {  	[tilespmem:s21], [sflag:$0x1] =	stream.indirect.gather [hbm4b:s3+s7], $0x1E, s22, s7, $0xb8;
	[tilespmem:$0xFF00] =	vst v63  }
0xcb: {  	s23 =	rddreg [dreg:$0x4];
	s26 =	sadd.s32 $0xC0, s20  }
0xcc: {  	[tilespmem:s23], [sflag:$0x1] =	stream.indirect.gather [hbm4b:s3+s7], $0x1E, s26, s7, $0xb8;
	[tilespmem:$0xFF00] =	vst v63  }
0xcd: {  	s25 =	rddreg [dreg:$0x5];
	s28 =	sadd.s32 $0x120, s20  }
0xce: {  	[tilespmem:s25], [sflag:$0x1] =	stream.indirect.gather [hbm4b:s3+s7], $0x1E, s28, s7, $0xb8;
	[tilespmem:$0xFF00] =	vst v63  }
0xcf: {  	s29 =	rddreg [dreg:$0x6];
	s31 =	sadd.s32 $0x180, s20  }
0xd0: {  	[tilespmem:s29], [sflag:$0x1] =	stream.indirect.gather [hbm4b:s3+s7], $0x1E, s31, s7, $0xb8;
	[tilespmem:$0xFF00] =	vst v63  }
0xd1: {  	s30 =	rddreg [dreg:$0x7];
	s24 =	sadd.s32 $0x1E0, s20  }
0xd2: {  	[tilespmem:s30], [sflag:$0x1] =	stream.indirect.gather [hbm4b:s3+s7], $0x1E, s24, s7, $0xb8;
	[tilespmem:$0xFF00] =	vst v63  }
0xd3: {  	s26 =	sadd.s32 $0x240, s20;
	s25 =	rddreg [dreg:$0x8]  }
0xd4: {  	[tilespmem:s25], [sflag:$0x1] =	stream.indirect.gather [hbm4b:s3+s7], $0x1E, s26, s7, $0xb8;
	[tilespmem:$0xFF00] =	vst v63  }
0xd5: {  	s28 =	rddreg [dreg:$0x9];
	s29 =	sadd.s32 $0x2A0, s20  }
0xd6: {  	[tilespmem:s28], [sflag:$0x1] =	stream.indirect.gather [hbm4b:s3+s7], $0x1E, s29, s7, $0xb8;
	[tilespmem:$0xFF00] =	vst v63  }
0xd7: {  	s31 =	sadd.s32 $0x300, s20;
	s30 =	rddreg [dreg:$0xa]  }
0xd8: {  	[tilespmem:s30], [sflag:$0x1] =	stream.indirect.gather [hbm4b:s3+s7], $0x1E, s31, s7, $0xb8;
	[tilespmem:$0xFF00] =	vst v63  }
0xd9: {  	s22 =	sadd.s32 $0x360, s20  }
0xda: {  	[tilespmem:s9], [sflag:$0x1] =	stream.indirect.gather [hbm4b:s3+s7], $0x1E, s22, s7, $0xb8;
	[tilespmem:$0xFF00] =	vst v63  }
0xdb: {  	s23 =	sadd.s32 $0x3C0, s20  }
0xdc: {  	[tilespmem:s10], [sflag:$0x1] =	stream.indirect.gather [hbm4b:s3+s7], $0x1E, s23, s7, $0xb8;
	[tilespmem:$0xFF00] =	vst v63  }
0xdd: {  	s24 =	sadd.s32 $0x420, s20  }
0xde: {  	[tilespmem:s11], [sflag:$0x1] =	stream.indirect.gather [hbm4b:s3+s7], $0x1E, s24, s7, $0xb8;
	[tilespmem:$0xFF00] =	vst v63  }
0xdf: {  	s25 =	sadd.s32 $0x480, s20  }
0xe0: {  	[tilespmem:s12], [sflag:$0x1] =	stream.indirect.gather [hbm4b:s3+s7], $0x1E, s25, s7, $0xb8;
	[tilespmem:$0xFF00] =	vst v63  }
0xe1: {  	s26 =	sadd.s32 $0x4E0, s20  }
0xe2: {  	[tilespmem:s13], [sflag:$0x1] =	stream.indirect.gather [hbm4b:s3+s7], $0x1E, s26, s7, $0xb8;
	[tilespmem:$0xFF00] =	vst v63  }
0xe3: {  	s28 =	sadd.s32 $0x540, s20  }
0xe4: {  	[tilespmem:s14], [sflag:$0x1] =	stream.indirect.gather [hbm4b:s3+s7], $0x1E, s28, s7, $0xb8;
	[tilespmem:$0xFF00] =	vst v63  }
0xe5: {  	s29 =	sadd.s32 $0x5A0, s20  }
0xe6: {  	[tilespmem:s15], [sflag:$0x1] =	stream.indirect.gather [hbm4b:s3+s7], $0x1E, s29, s7, $0xb8;
	[tilespmem:$0xFF00] =	vst v63  }
0xe7: {  	s20 =	sadd.s32 $0x600, s20  }
0xe8: {  	[tilespmem:s16], [sflag:$0x1] =	stream.indirect.gather [hbm4b:s3+s7], $0x1E, s20, s7, $0xb8;
	[tilespmem:$0xFF00] =	vst v63  }
0xe9: {  	_ =	swait.ge [sflag:s17], $0xB40  }
0xea: {  	[sflag:s17] =	ssyncset.done $0x0  }
0xeb: {  	[sflag:s17] =	ssyncadd.s32 $0xFFFFF4C0  }
0xec: {  	_ =	swait.ge [sflag:s17], $0xB40  }
0xed: {  	[sflag:s17] =	ssyncset.done $0x0  }
0xee: {  	[sflag:s17] =	ssyncadd.s32 $0xFFFFF4C0  }
0xef: {  	_ =	swait.ge [sflag:s17], $0xB40  }
0xf0: {  	[sflag:s17] =	ssyncset.done $0x0  }
0xf1: {  	[sflag:s17] =	ssyncadd.s32 $0xFFFFF4C0  }
0xf2: {  	_ =	swait.ge [sflag:s17], $0xB40  }
0xf3: {  	[sflag:s17] =	ssyncset.done $0x0  }
0xf4: {  	[sflag:s17] =	ssyncadd.s32 $0xFFFFF4C0  }
0xf5: {  	_ =	swait.ge [sflag:s17], $0xB40  }
0xf6: {  	[sflag:s17] =	ssyncset.done $0x0  }
0xf7: {  	[sflag:s17] =	ssyncadd.s32 $0xFFFFF4C0  }
0xf8: {  	_ =	swait.ge [sflag:s17], $0xB40  }
0xf9: {  	[sflag:s17] =	ssyncset.done $0x0  }
0xfa: {  	[sflag:s17] =	ssyncadd.s32 $0xFFFFF4C0  }
0xfb: {  	_ =	swait.ge [sflag:s17], $0xB40  }
0xfc: {  	[sflag:s17] =	ssyncset.done $0x0  }
0xfd: {  	[sflag:s17] =	ssyncadd.s32 $0xFFFFF4C0  }
0xfe: {  	_ =	swait.ge [sflag:s17], $0xB40  }
0xff: {  	[sflag:s17] =	ssyncset.done $0x0  }
0x100: {  	[sflag:s17] =	ssyncadd.s32 $0xFFFFF4C0  }
0x101: {  	_ =	swait.ge [sflag:s17], $0xB40  }
0x102: {  	[sflag:s17] =	ssyncset.done $0x0  }
0x103: {  	[sflag:s17] =	ssyncadd.s32 $0xFFFFF4C0  }
0x104: {  	_ =	swait.ge [sflag:s17], $0xB40  }
0x105: {  	[sflag:s17] =	ssyncset.done $0x0  }
0x106: {  	[sflag:s17] =	ssyncadd.s32 $0xFFFFF4C0  }
0x107: {  	_ =	swait.ge [sflag:s17], $0xB40  }
0x108: {  	[sflag:s17] =	ssyncset.done $0x0  }
0x109: {  	[sflag:s17] =	ssyncadd.s32 $0xFFFFF4C0  }
0x10a: {  	_ =	swait.ge [sflag:s17], $0xB40  }
0x10b: {  	[sflag:s17] =	ssyncset.done $0x0  }
0x10c: {  	[sflag:s17] =	ssyncadd.s32 $0xFFFFF4C0  }
0x10d: {  	_ =	swait.ge [sflag:s17], $0xB40  }
0x10e: {  	[sflag:s17] =	ssyncset.done $0x0  }
0x10f: {  	[sflag:s17] =	ssyncadd.s32 $0xFFFFF4C0  }
0x110: {  	_ =	swait.ge [sflag:s17], $0xB40  }
0x111: {  	[sflag:s17] =	ssyncset.done $0x0  }
0x112: {  	[sflag:s17] =	ssyncadd.s32 $0xFFFFF4C0  }
0x113: {  	_ =	swait.ge [sflag:s17], $0xB40  }
0x114: {  	[sflag:s17] =	ssyncset.done $0x0  }
0x115: {  	[sflag:s17] =	ssyncadd.s32 $0xFFFFF4C0  }
0x116: {  	_ =	swait.ge [sflag:s17], $0xB40  }
0x117: {  	[sflag:s17] =	ssyncset.done $0x0  }
0x118: {  	[sflag:s17] =	ssyncadd.s32 $0xFFFFF4C0  }
0x119: {  	s18 =	sadd.s32 $0x1, s18;
	_ =	swait.ge [sflag:s17], $0xB40  }
0x11a: {  	p0 =	sne.s32 s18, s5;
	s30 =	rddreg [dreg:$0x2];
	[sflag:s17] =	ssyncset.done $0x0  }
.Ltmp1:
0x11b: {  	[sflag:s17] =	ssyncadd.s32 $0xFFFFF4C0;
	s31 =	sadd.s32 s19, s30;
	(pc) =	sbr.rel @p0 .LBB2_1-.Ltmp1, $4  }
0x11c: {  	[hbm4b:s31+s2] =	stream.linear.scatter [tilespmem:s8], [sflag:$0x2], $0xCC00, $0x38;
	[tilespmem:$0xFF00] =	vst v63  }
0x11d: {  	_ =	swait.ge [sflag:s6], $0xCC00  }
0x11e: {  	[sflag:s6] =	ssyncset.done $0x0  }
0x11f: {  	[sflag:s6] =	ssyncadd.s32 $0xFFFF3400  }
0x120: {  	_ =	sfence.sel $0x180000  }
0x121: {  	[bflag:$0x0] =	sbarrier.arrive $0xFFFF  }
0x122: {  	p0 =	sne.s32 s1, $0x0;
	_ =	strace $0x9000004A  }
0x123: {  	s0 =	sadd.s32 @!p0 $0x100000, s0;
	[bflag:$0x2] =	sbarrier.arrive $0xFFFF  }
0x124: {  	[sflag:s0] =	ssyncadd.tile.s32 @!p0 $0x1;
	_ =	shalt  }
.Lfunc_end2:
_tile_overlayer_lowered:
.L_overlay_start_2:
0x125: {  	(tag) =	ssettag $0x2  }
0x126: {  	s0 =	rddreg [dreg:$0x0];
	s2 =	stileid.u32  }
0x127: {  	s1 =	rddreg [dreg:$0x1];
	p0 =	sne.s32 s2, $0x0  }
0x128: {  	s3 =	rddreg [dreg:$0x2];
	[bflag:$0x3] =	sbarrier.arrive $0xFFFF;
	s2 =	simm.s32 @!p0 $0x1C02  }
0x129: {  	[timem:s3], [sflag:s2] =	dma.local @!p0 [hbm:s0], s1  }
0x12a: {  	s0 =	simm.s32 @!p0 $0x2  }
0x12b: {  	_ =	swait.ge @!p0 [sflag:s0], s1  }
0x12c: {  	s1 =	ssub.s32 @!p0 $0x0, s1;
	[sflag:s0] =	ssyncset.done @!p0 $0x0  }
0x12d: {  	[sflag:s0] =	ssyncadd.s32 @!p0 s1  }
0x12e: {  	[bflag:$0x3] =	sbarrier.arrive $0xFFFF  }
0x12f: {  	_ =	shalt  }

// kernel: sparse-core-data-format-call.cloned.1.call-start
scs
called_computation_lowered:
.L_overlay_start_0:
0x0: {  	s2 =	sld [smem:$0x3FD9]  }
0x1: {  	s3 =	sld [smem:$0x3FFE];
	_ =	sdelay $0x1  }
0x2: {  	s1 =	srdreg.scid  }
0x3: {  	s0 =	sand.u32 $0x1, s1  }
0x4: {  	s18 =	sshll.u32 s0, $0xA;
	s2 =	sadd.s32 s3, s2  }
0x5: {  	s2 =	sadd.s32 s2, s18  }
0x6: {  	[smem:$0x3FA9] =	sst s2  }
0x7: {  	_ = 	snop  }
0x8: {  	s2 =	sld [smem:$0x3FAE];
	(tm) =	ssettm $0x1  }
0x9: {  	s19 =	sld [smem:$0x3FFB];
	_ =	sdelay $0x3  }
0xa: {  	_ =	strace s19  }
0xb: {  	s3 =	sld [smem:$0x3FFC];
	_ =	sdelay $0x3  }
0xc: {  	_ =	strace s3  }
0xd: {  	s3 =	sld [smem:$0x3FFD];
	_ =	sdelay $0x3  }
0xe: {  	_ =	strace s3  }
0xf: {  	_ =	strace $0x8FFFFFFF  }
0x10: {  	s20 =	sld [smem:$0x3FDB];
	_ =	sdelay $0x1  }
0x11: {  	s4 =	simm.s32 $_scs_section_size  }
0x12: {  	s5 =	simm.s32 $_size__tile_overlayer_lowered;
	s6 =	simm.s32 $_tile_overlayer_lowered  }
0x13: {  	s23 =	simm.s32 $0x1BFF;
	s22 =	sshll.u32 s6, $0x1;
	s3 =	sadd.s32 s4, s20  }
0x14: {  	s7 =	simm.s32 $0x0;
	s21 =	sshll.u32 s5, $0x1;
	s5 =	sadd.s32 s22, s3  }
0x15: {  	[timem:s7], [sflag:s23] =	dma.local [hbm:s5], s21  }
0x16: {  	_ =	swait.ge [sflag:s23], s21  }
0x17: {  	s4 =	ssub.s32 $0x0, s21;
	[sflag:s23] =	ssyncset.done $0x0  }
0x18: {  	[sflag:s23] =	ssyncadd.s32 s4;
	_ =	sdelay $0x1  }
0x19: {  	s24 =	simm.s32 $0x1B8B  }
0x1a: {  	_ =	swait.ge [sflag:s24], $0x1  }
0x1b: {  	[sflag:s24] =	ssyncset.done $0x0  }
0x1c: {  	s26 =	simm.s32 $0x1B8E;
	s25 =	sld [smem:$0x3FFE];
	[sflag:s24] =	ssyncadd.s32 $0xFFFFFFFF  }
0x1d: {  	s27 =	simm.s32 $execute0_lowered;
	[smem:$0x3FD2] =	sst s26  }
0x1e: {  	s5 =	sshll.u32 s27, $0x1;
	_ =	strace $0x80000046;
	[dreg:$0x1] =	wrdreg $0xFFFFFFFF  }
0x1f: {  	s28 =	simm.s32 $_size_execute0_lowered;
	s3 =	sadd.s32 s3, s5;
	[dreg:$0x0] =	wrdreg $0x0  }
0x20: {  	s5 =	sshll.u32 s28, $0x1;
	[dreg:$0x2] =	wrdreg s3  }
0x21: {  	[dreg:$0x3] =	wrdreg s5  }
0x22: {  	[dreg:$0x4] =	wrdreg $0xC0  }
0x23: {  	_ =	task [dreg:s7], $0x5FFFF  }
0x24: {  	[dreg:$0x1] =	wrdreg $0xFFFFFFFF  }
0x25: {  	[dreg:$0x0] =	wrdreg $0x60  }
0x26: {  	[dreg:$0x2] =	wrdreg s2  }
0x27: {  	[dreg:$0x3] =	wrdreg s25  }
0x28: {  	[dreg:$0x4] =	wrdreg $0x9  }
0x29: {  	_ =	task.clear_ibuf [dreg:s7], $0x5FFFF;
	_ =	strace $0x90000046  }
0x2a: {  	s29 =	simm.s32 $0x9;
	_ =	strace $0x80000048  }
0x2b: {  	_ =	swait.ge [sflag:s29], $0x1  }
0x2c: {  	[sflag:s29] =	ssyncadd.s32 $0xFFFFFFFF  }
0x2d: {  	_ =	strace $0x90000048  }
0x2e: {  	_ =	sfence  }
0x2f: {  	s30 =	sld [smem:$0x0];
	_ =	sdelay $0x2  }
0x30: {  	s31 =	sshll.u32 s1, $0xD;
	s1 =	sshrl.u32 s1, $0x2  }
0x31: {  	s3 =	sand.u32 $0x4000, s31;
	s1 =	sadd.s32 s1, s30  }
0x32: {  	s0 =	sor.u32 s3, s0;
	s1 =	sshll.u32 s1, $0x11  }
0x33: {  	s0 =	sor.u32 s1, s0  }
0x34: {  	s0 =	sadd.s32 $0x8F2B, s0  }
0x35: {  	[sflag:s0] =	ssyncadd.remote.s32 $0x1  }
0x36: {  	_ =	sfence.sel $0xFFFF  }
0x37: {  	[dreg:$0x0] =	wrdreg $0xFFFFFFFF;
	(pc) =	sbr.abs _section_cstart, $3  }
0x38: {  	[dreg:$0x1] =	wrdreg $0xFFFFFFFF  }
0x39: {  	_ =	task.clear_ibuf [dreg:s7], $0x2FFFF;
	_ =	strace $0x9FFFFFFF  }
0x3a: {  	(tm) =	ssettm $0x7FFFFFFF  }
0x3b: {  	_ =	shalt  }
tec
execute0_lowered:
.L_overlay_start_1:
0x0: {  	(tag) =	ssettag $0x1  }
0x1: {  	s0 =	srdreg.scid;
	s2 =	rddreg [dreg:$0x0]  }
0x2: {  	s5 =	rddreg [dreg:$0x1];
	s1 =	stileid.u32  }
0x3: {  	s4 =	simm.s32 $0x1;
	s6 =	simm.s32 $0x2;
	s15 =	simm.s32 $0x0  }
0x4: {  	p0 =	por $0x0, $0x0;
	s8 =	simm.s32 $0x80;
	s0 =	sshll.u32 s0, $0x4  }
0x5: {  	s14 =	simm.s32 $0x0;
	s9 =	simm.s32 $0x0;
	s3 =	sand.u32 $0x10, s0  }
.Ltmp0:
0x6: {  	s10 =	simm.s32 $0x0;
	s3 =	sor.u32 s1, s3;
	(pc) =	sbr.rel .LBB1_1-.Ltmp0, $4  }
0x7: {  	s0 =	rddreg [dreg:$0x2];
	_ =	strace $0x80000047;
	s3 =	sshll.u32 s3, $0x7  }
0x8: {  	s12 =	simm.s32 $0x0;
	[sflag:s4] =	ssyncpa.u1 $0x0;
	s7 =	ssub.s32 $0xF4200, s3  }
0x9: {  	s13 =	simm.s32 $0x0;
	[sflag:s6] =	ssyncpa.u1 $0x0;
	s6 =	sshrl.u32 s7, $0xC  }
0xa: {  	s5 =	sadd.s32 $0x4600, s5;
	s11 =	smov.u32 s3;
	s7 =	sadd.s32 $0x2, s6  }
.LBB1_5:
0xb: {  	p1 =	slt.u32 s13, $0x2  }
0xc: {  	s17 =	smov.u32 s15;
	p2 =	sgt.s32 @!p1 s15, $0xF41C0;
	s16 =	sshra.s32 @!p1 s15, $0x1F  }
0xd: {  	p3 =	sgt.s32 @!p1 s14, $0x60;
	s18 =	sshra.s32 @!p1 s14, $0x1F;
	p2 =	por !p2, p1  }
0xe: {  	s15 =	sand.u32 @!p1 s16, s15;
	p3 =	por !p3, p1;
	s16 =	smov.u32 s14  }
0xf: {  	s14 =	sand.u32 @!p1 s18, s14;
	s17 =	simm.s32 @p2 $0xF41C0;
	s16 =	simm.s32 @p3 $0x60  }
0x10: {  	s15 =	ssub.s32 @!p1 s17, s15;
	s14 =	ssub.s32 @!p1 s16, s14  }
0x11: {  	s18 =	smov.u32 s12;
	s16 =	sadd.s32 @!p1 $0xFFF0BE40, s15;
	s17 =	sadd.s32 @!p1 $0xFFFFFFA0, s14  }
0x12: {  	s15 =	ssub.s32 @!p1 $0xF4240, s15;
	p2 =	sgt.s32 @!p1 s16, $0x7F;
	p3 =	sgt.s32 @!p1 s17, $0x1F  }
0x13: {  	s14 =	ssub.s32 @!p1 $0x80, s14;
	p2 =	por !p2, p1;
	p3 =	por !p3, p1  }
0x14: {  	s16 =	sadd.s32 $0x1000, s11;
	s15 =	simm.s32 @!p2 $0x0;
	s14 =	simm.s32 @!p3 $0x0  }
0x15: {  	p2 =	sgt.s32 s16, $0xF423F;
	s14 =	smul.u32 @!p1 s14, s15;
	s15 =	sadd.s32 $0x20, s12  }
0x16: {  	s18 =	smov.u32 @p2 s15  }
0x17: {  	s16 =	smov.u32 @p2 s3;
	p2 =	sgt.s32 s18, $0x1D  }
0x18: {  	s18 =	simm.s32 @p2 $0x0;
	p2 =	sne.s32 s13, s7  }
.Ltmp1:
0x19: {  	p0 =	por !p0, !p0;
	s17 =	simm.s32 @!p1 $0x2;
	(pc) =	sbr.rel @!p2 .LBB1_6-.Ltmp1, $4  }
0x1a: {  	s15 =	smov.u32 s9;
	s9 =	smov.u32 s11;
	s14 =	sand.u32 @!p1 $0x3FFFFFFF, s14  }
0x1b: {  	s11 =	smov.u32 s16;
	_ =	swait.ge @!p1 [sflag:s17], s14;
	s19 =	ssub.s32 @!p1 $0x0, s14  }
0x1c: {  	s14 =	smov.u32 s10;
	s13 =	sadd.s32 $0x1, s13;
	[sflag:s17] =	ssyncset.done @!p1 $0x0  }
0x1d: {  	s10 =	smov.u32 s12;
	s12 =	smov.u32 s18;
	[sflag:s17] =	ssyncadd.s32 @!p1 s19  }
.LBB1_1:
0x1e: {  	p1 =	sgt.u32 s13, s6  }
0x1f: {  	s16 =	sshrl.u32 @!p1 s12, $0x3  }
0x20: {  	s17 =	sshll.u32 @!p1 s11, $0x3;
	s16 =	smul.u32 @!p1 $0x7A1400, s16  }
0x21: {  	s18 =	sshll.u32 @!p1 s12, $0x7;
	s17 =	sand.u32 @!p1 $0xFFFFFC00, s17  }
0x22: {  	s16 =	sadd.s32 @!p1 s16, s17;
	s17 =	sand.u32 @!p1 $0x380, s18  }
0x23: {  	s18 =	sand.u32 @!p1 $0x7F, s11;
	s16 =	sor.u32 @!p1 s17, s16  }
0x24: {  	s17 =	sor.u32 @!p1 s18, s16  }
0x25: {  	s18 =	smulhi.u32 @!p1 $0x218D6287, s17;
	_ =	sdelay $0x1  }
0x26: {  	s16 =	smulhi.u32 @!p1 $0x218D6287, s16;
	s18 =	sshrl.u32 @!p1 s18, $0x11  }
0x27: {  	s18 =	smul.u32 @!p1 $0xF4280, s18  }
0x28: {  	s19 =	sxor.u32 @!p1 $0xFFFFFFFF, s13;
	s16 =	sshrl.u32 @!p1 s16, $0x11  }
0x29: {  	s19 =	sshll.u32 @!p1 s19, $0xC;
	s16 =	sand.u32 @!p1 $0x1F, s16;
	s17 =	ssub.s32 @!p1 s17, s18  }
0x2a: {  	s16 =	smul.u32 @!p1 $0x1E850, s16;
	s18 =	sshrl.u32 @!p1 s17, $0x3;
	s17 =	sand.u32 @!p1 $0x7, s17  }
0x2b: {  	s19 =	sand.u32 @!p1 $0x1000, s19;
	s18 =	sadd.s32 @!p1 s2, s18;
	s17 =	sshll.u32 @!p1 s17, $0x12  }
0x2c: {  	s16 =	sadd.s32 @!p1 s16, s18;
	s17 =	sor.u32 @!p1 $0x400, s17;
	s18 =	simm.s32 @!p1 $0x7A1400  }
0x2d: {  	[tilespmem:s19], [sflag:$0x1] =	stream.strided.gather @!p1 [hbm4b:s16+s17], $0x1000, s18, s17, $0x38;
	[tilespmem:$0x4100] =	vst v63  }
0x2e: {  	p1 =	seq.s32 s13, $0x0  }
0x2f: {  	p2 =	sge.u32 @!p1 s13, s7  }
0x30: {  	p1 =	por p1, p2  }
.Ltmp2:
0x31: {  	_ = 	snop;
	(pc) =	sbr.rel @p1 .LBB1_5-.Ltmp2, $1  }
0x32: {  	_ =	sdelay $0x3  }
0x33: {  	s16 =	simm.s32 $0x1  }
0x34: {  	_ =	swait.ge [sflag:s4], $0x1000;
	s16 =	simm.s32 @!p0 $0x0  }
0x35: {  	[sflag:s4] =	ssyncset.done $0x0;
	s17 =	sshll.u32 s16, $0xC  }
0x36: {  	[sflag:s4] =	ssyncadd.s32 $0xFFFFF000;
	s17 =	sor.u32 $0x40, s17  }
0x37: {  	s16 =	smul.u32 $0x4200, s16;
	v0 =	vld [tilespmem:s17+$0x30]  }
0x38: {  	v1 =	vld [tilespmem:s17+$0xFFFFFFD0]  }
0x39: {  	s16 =	sshrl.u32 s16, $0x2;
	v5 =	vld [tilespmem:s17+$0xFFFFFFE0]  }
0x3a: {  	v6 =	vld [tilespmem:s17+$0xFFFFFFF0];
	s19 =	sor.u32 $0x2000, s16  }
0x3b: {  	s31 =	sand.u32 $0x1, s13;
	v4 =	vld [tilespmem:s17+$0x0];
	s18 =	sadd.s32 $0x0, s19  }
0x3c: {  	v3 =	vld [tilespmem:s17+$0x10];
	s16 =	smul.u32 $0x4200, s31;
	[tilespmem:s18+$0xE70 ss:$0x21] =	vst.msk $0xffff, v0  }
0x3d: {  	v2 =	vld [tilespmem:s17+$0x20];
	[tilespmem:s18+$0x210 ss:$0x21] =	vst.msk $0xffff, v1  }
0x3e: {  	s16 =	sshrl.u32 s16, $0x2;
	v1 =	vld [tilespmem:s17+$0xFFFFFFC0];
	[tilespmem:s18+$0x420 ss:$0x21] =	vst.msk $0xffff, v5;
	s17 =	sadd.s32 $0x80, s17  }
0x3f: {  	s20 =	simm.s32 $0x4;
	s21 =	simm.s32 $0x8;
	s16 =	sor.u32 $0x2000, s16;
	[tilespmem:s18+$0x630 ss:$0x21] =	vst.msk $0xffff, v6;
	v0 =	vld [tilespmem:s17+$0x30]  }
.LBB1_3:
0x40: {  	p1 =	sne.s32 s21, $0x7C;
	v5 =	vld [tilespmem:s17+$0xFFFFFFD0];
	[tilespmem:s18+$0x840 ss:$0x21] =	vst.msk $0xffff, v4  }
0x41: {  	v6 =	vld [tilespmem:s17+$0xFFFFFFE0];
	[tilespmem:s18+$0xA50 ss:$0x21] =	vst.msk $0xffff, v3  }
0x42: {  	s22 =	sshra.s32 s20, $0x2;
	s20 =	smov.u32 s21;
	v7 =	vld [tilespmem:s17+$0xFFFFFFF0];
	[tilespmem:s18+$0xC60 ss:$0x21] =	vst.msk $0xffff, v2  }
.Ltmp3:
0x43: {  	v4 =	vld [tilespmem:s17+$0x0];
	[tilespmem:s18+$0x0 ss:$0x21] =	vst.msk $0xffff, v1;
	s18 =	sadd.s32 s22, s19;
	(pc) =	sbr.rel @p1 .LBB1_3-.Ltmp3, $4  }
0x44: {  	v3 =	vld [tilespmem:s17+$0x10];
	[tilespmem:s18+$0xE70 ss:$0x21] =	vst.msk $0xffff, v0  }
0x45: {  	[tilespmem:s18+$0x210 ss:$0x21] =	vst.msk $0xffff, v5;
	v2 =	vld [tilespmem:s17+$0x20]  }
0x46: {  	v1 =	vld [tilespmem:s17+$0xFFFFFFC0];
	[tilespmem:s18+$0x420 ss:$0x21] =	vst.msk $0xffff, v6;
	s17 =	sadd.s32 $0x80, s17  }
0x47: {  	s21 =	sadd.s32 $0x4, s21;
	v0 =	vld [tilespmem:s17+$0x30];
	[tilespmem:s18+$0x630 ss:$0x21] =	vst.msk $0xffff, v7  }
0x48: {  	s21 =	sshll.u32 s9, $0x7;
	s22 =	sshll.u32 s10, $0x3;
	s20 =	sshra.s32 s20, $0x2  }
0x49: {  	p1 =	sgt.s32 s9, $0xF41C0;
	s30 =	sshra.s32 s9, $0x1F;
	s25 =	sshra.s32 s10, $0x1F  }
0x4a: {  	v5 =	vld [tilespmem:s17+$0xFFFFFFD0];
	s28 =	sshrl.u32 s10, $0x3;
	s23 =	sand.u32 $0xFFFFFC00, s21;
	s22 =	sand.u32 $0xFFFFFC00, s22  }
0x4b: {  	[tilespmem:s18+$0x840 ss:$0x21] =	vst.msk $0xffff, v4;
	v58 =	vld [tilespmem:s17+$0xFFFFFFE0];
	s21 =	sand.u32 $0x380, s21;
	s19 =	sadd.s32 s20, s19;
	s22 =	sadd.s32 s22, s23  }
0x4c: {  	v59 =	vld [tilespmem:s17+$0xFFFFFFF0];
	[tilespmem:s18+$0xA50 ss:$0x21] =	vst.msk $0xffff, v3;
	s29 =	sor.u32 s21, s22;
	s21 =	smov.u32 s9;
	s22 =	sand.u32 s30, s9  }
0x4d: {  	v60 =	vld [tilespmem:s17+$0x0];
	[tilespmem:s18+$0xC60 ss:$0x21] =	vst.msk $0xffff, v2;
	s30 =	sand.u32 $0x7, s10;
	s20 =	sshrl.u32 s29, $0x7;
	s21 =	simm.s32 @!p1 $0xF41C0  }
0x4e: {  	v61 =	vld [tilespmem:s17+$0x10];
	[tilespmem:s18+$0x0 ss:$0x21] =	vst.msk $0xffff, v1;
	p1 =	sgt.s32 s10, $0x60;
	s24 =	ssub.s32 s21, s22;
	s21 =	smov.u32 s10  }
0x4f: {  	v62 =	vld [tilespmem:s17+$0x20];
	[tilespmem:s19+$0xE70 ss:$0x21] =	vst.msk $0xffff, v0;
	s31 =	smulhi.u32 $0x218DEF5, s20;
	s22 =	sand.u32 s25, s10;
	s21 =	simm.s32 @!p1 $0x60  }
0x50: {  	v63 =	vld [tilespmem:s17+$0xFFFFFFC0];
	[tilespmem:s19+$0x210 ss:$0x21] =	vst.msk $0xffff, v5;
	s26 =	sadd.s32 $0xFFF0BE40, s24;
	s17 =	ssub.s32 $0xF4240, s24;
	s21 =	ssub.s32 s21, s22  }
0x51: {  	[tilespmem:s19+$0x420 ss:$0x21] =	vst.msk $0xffff, v58;
	s23 =	sshrl.u32 s31, $0xD;
	p1 =	sgt.s32 s26, $0x7F;
	s27 =	sadd.s32 $0xFFFFFFA0, s21  }
0x52: {  	[tilespmem:s19+$0x630 ss:$0x21] =	vst.msk $0xffff, v59;
	s23 =	smul.u32 $0xF4240, s23;
	s18 =	ssub.s32 $0x80, s21;
	p2 =	sgt.s32 s27, $0x1F  }
.Ltmp4:
0x53: {  	[tilespmem:s19+$0x840 ss:$0x21] =	vst.msk $0xffff, v60;
	s17 =	simm.s32 @p1 $0x0;
	s18 =	simm.s32 @p2 $0x0;
	(pc) =	sbr.rel .LBB1_5-.Ltmp4, $4  }
0x54: {  	s29 =	sand.u32 $0xF, s28;
	[tilespmem:s19+$0xA50 ss:$0x21] =	vst.msk $0xffff, v61;
	s20 =	ssub.s32 s20, s23;
	s17 =	smul.u32 s18, s17  }
0x55: {  	[tilespmem:s19+$0xC60 ss:$0x21] =	vst.msk $0xffff, v62;
	s21 =	sshll.u32 s30, $0x12;
	s20 =	sshll.u32 s20, $0x4;
	s18 =	sadd.s32 s5, s29  }
0x56: {  	[tilespmem:s19+$0x0 ss:$0x21] =	vst.msk $0xffff, v63;
	s31 =	sor.u32 $0x20, s21;
	s18 =	sadd.s32 s20, s18;
	s17 =	sand.u32 $0x3FFFFFFF, s17  }
0x57: {  	[hbm4b:s18+s31] =	stream.strided.scatter [tilespmem:s16], [sflag:$0x2], s17, s8, s31, $0x10;
	[tilespmem:$0x4100] =	vst v63  }
.LBB1_6:
0x58: {  	_ =	sfence.sel $0x180000  }
0x59: {  	s2 =	simm.s32 $0x1;
	[bflag:$0x0] =	sbarrier.arrive $0xFFFF  }
0x5a: {  	s31 =	simm.s32 $0x2;
	[sflag:s2] =	ssyncpa.u1 $0x1  }
0x5b: {  	[sflag:s31] =	ssyncpa.u1 $0x1  }
0x5c: {  	p0 =	sne.s32 s1, $0x0;
	_ =	strace $0x90000047  }
0x5d: {  	s0 =	sadd.s32 @!p0 $0x100000, s0;
	[bflag:$0x2] =	sbarrier.arrive $0xFFFF  }
0x5e: {  	[sflag:s0] =	ssyncadd.tile.s32 @!p0 $0x1;
	_ =	shalt  }
.Lfunc_end1:
_tile_overlayer_lowered:
.L_overlay_start_2:
0x5f: {  	(tag) =	ssettag $0x2  }
0x60: {  	s0 =	rddreg [dreg:$0x0];
	s2 =	stileid.u32  }
0x61: {  	s1 =	rddreg [dreg:$0x1];
	p0 =	sne.s32 s2, $0x0  }
0x62: {  	s3 =	rddreg [dreg:$0x2];
	[bflag:$0x3] =	sbarrier.arrive $0xFFFF;
	s2 =	simm.s32 @!p0 $0x1C01  }
0x63: {  	[timem:s3], [sflag:s2] =	dma.local @!p0 [hbm:s0], s1  }
0x64: {  	s0 =	simm.s32 @!p0 $0x1  }
0x65: {  	_ =	swait.ge @!p0 [sflag:s0], s1  }
0x66: {  	s1 =	ssub.s32 @!p0 $0x0, s1;
	[sflag:s0] =	ssyncset.done @!p0 $0x0  }
0x67: {  	[sflag:s0] =	ssyncadd.s32 @!p0 s1  }
0x68: {  	[bflag:$0x3] =	sbarrier.arrive $0xFFFF  }
0x69: {  	_ =	shalt  }

</sc_bundles>
